<compile_context>
chip_gen: v7x
topology: tpu7x:2x2x1
jax: 0.10.2.dev20260603
libtpu: 0.0.44.dev20260713+nightly
codegen_flags: <defaults>
</compile_context>

<pallas_src>
import jax
import jax.numpy as jnp
from jax import lax
from jax.experimental import pallas as pl
from jax.experimental.pallas import tpu as pltpu
from jax.experimental.pallas import tpu_sc as plsc

N = 4096
NBUCKETS = 1024
NTILES = 16
PER_TILE = N // NTILES
STRIPE = NBUCKETS // NTILES
LN2 = 0.6931471805599453
EPSILON = 1e-07


def _lane(v, i):
    dn = lax.GatherDimensionNumbers(offset_dims=(), collapsed_slice_dims=(0,),
                                    start_index_map=(0,))
    idx = jnp.full((16, 1), i, jnp.int32)
    return lax.gather(v, idx, dn, slice_sizes=(1,),
                      mode=lax.GatherScatterMode.PROMISE_IN_BOUNDS)


def _log16(s):
    bits = plsc.bitcast(s, jnp.int32)
    ex = ((bits >> 23) & 0xFF) - 127
    m = plsc.bitcast((bits & 0x7FFFFF) | 0x3F800000, jnp.float32)
    big = m > 1.5
    m = jnp.where(big, m * 0.5, m)
    ex = jnp.where(big, ex + 1, ex)
    z = (m - 1.0) / (m + 1.0)
    z2 = z * z
    p = jnp.full((16,), 1.0 / 7.0, jnp.float32)
    for c in (1.0 / 5.0, 1.0 / 3.0, 1.0):
        p = p * z2 + c
    return ex.astype(jnp.float32) * LN2 + 2.0 * z * p


def _cox_body(h_hbm, ie_hbm, et_hbm, out_hbm,
              h_v, ie_v, idx_a, idx_b, e_a, e_b, idx16_v,
              z_v, loc_v, loc2_v, sfx_v, tot_v, offs_v, stage_v, out_v,
              hist_s, hist2_s, sfx_s, tot_s, pacc_s,
              sem_a, sem_b, sem_c, sem_d):
    wid = lax.axis_index("s")
    base = wid * PER_TILE
    lanes = lax.iota(jnp.int32, 16)
    zeros16 = jnp.zeros((16,), jnp.float32)

    cp_h = pltpu.async_copy(h_hbm.at[pl.ds(base, PER_TILE)], h_v, sem_a)
    cp_i1 = pltpu.async_copy(et_hbm.at[pl.ds(base, 128)], idx_a, sem_b)
    cp_i2 = pltpu.async_copy(et_hbm.at[pl.ds(base + 128, 128)], idx_b, sem_b)
    cp_ie = pltpu.async_copy(ie_hbm.at[pl.ds(base, PER_TILE)], ie_v, sem_c)

    for k in range(4):
        z_v[pl.ds(k * 16, 16)] = zeros16
    idx16_v[...] = lanes
    cp_z = pltpu.async_copy(z_v, hist_s.at[pl.ds(wid * STRIPE, STRIPE)], sem_d)
    cp_z2 = pltpu.async_copy(z_v, hist2_s.at[pl.ds(wid * STRIPE, STRIPE)],
                             sem_d)

    @pl.when(wid == 0)
    def _():
        pltpu.sync_copy(z_v.at[pl.ds(0, 16)], pacc_s)

    cp_z.wait()
    cp_z2.wait()

    plsc.subcore_barrier()

    cp_h.wait()
    for c in range(PER_TILE // 16):
        ec = jnp.exp(h_v[pl.ds(c * 16, 16)])
        if c < 8:
            e_a[pl.ds(c * 16, 16)] = ec
        else:
            e_b[pl.ds((c - 8) * 16, 16)] = ec

    cp_i1.wait()
    cp_i2.wait()
    s1 = pltpu.async_copy(e_a, hist_s.at[idx_a], sem_d, add=True)
    s2 = pltpu.async_copy(e_b, hist2_s.at[idx_b], sem_d, add=True)
    s1.wait()
    s2.wait()

    plsc.subcore_barrier()

    cp_l1 = pltpu.async_copy(hist_s.at[pl.ds(wid * STRIPE, STRIPE)], loc_v,
                             sem_d)
    cp_l2 = pltpu.async_copy(hist2_s.at[pl.ds(wid * STRIPE, STRIPE)], loc2_v,
                             sem_d)
    cp_l1.wait()
    cp_l2.wait()
    for c in range(STRIPE // 16):
        loc_v[pl.ds(c * 16, 16)] = (loc_v[pl.ds(c * 16, 16)]
                                    + loc2_v[pl.ds(c * 16, 16)])
    carry = zeros16
    for c in range(STRIPE // 16 - 1, -1, -1):
        v = loc_v[pl.ds(c * 16, 16)]
        cs = plsc.cumsum(lax.rev(v, (0,)))
        loc_v[pl.ds(c * 16, 16)] = lax.rev(cs, (0,)) + carry
        carry = carry + _lane(cs, 15)
    cp_sf = pltpu.async_copy(loc_v, sfx_s.at[pl.ds(wid * STRIPE, STRIPE)],
                             sem_d)
    stage_v[...] = carry
    cp_t = pltpu.async_copy(stage_v, tot_s.at[pl.ds(wid * 16, 16)], sem_d)
    cp_sf.wait()
    cp_t.wait()

    plsc.subcore_barrier()

    cp_x = pltpu.async_copy(sfx_s, sfx_v, sem_d)
    cp_tt = pltpu.async_copy(tot_s, tot_v, sem_a)
    cp_tt.wait()
    tots = plsc.load_gather(tot_v, [lanes * 16])
    rt = lax.rev(tots, (0,))
    cs = plsc.cumsum(rt)
    offs_v[...] = lax.rev(cs - rt, (0,))
    cp_x.wait()
    cp_ie.wait()

    acc = zeros16
    ecnt = zeros16
    for c in range(PER_TILE // 16):
        src = idx_a if c < 8 else idx_b
        ic = src[pl.ds((c % 8) * 16, 16)]
        s = plsc.load_gather(sfx_v, [ic]) + plsc.load_gather(offs_v, [ic >> 6])
        lse = _log16(s)
        iec = ie_v[pl.ds(c * 16, 16)]
        acc = acc + iec * (lse - h_v[pl.ds(c * 16, 16)])
        ecnt = ecnt + iec
    p_vec = _lane(plsc.cumsum(acc), 15)
    e_vec = _lane(plsc.cumsum(ecnt), 15)
    stage_v[...] = jnp.where(lanes == 0, p_vec,
                             jnp.where(lanes == 1, e_vec, zeros16))
    sp = pltpu.async_copy(stage_v, pacc_s.at[idx16_v], sem_d, add=True)
    sp.wait()

    plsc.subcore_barrier()

    @pl.when(wid == 0)
    def _():
        pltpu.sync_copy(pacc_s, z_v.at[pl.ds(0, 16)])
        tot = z_v[pl.ds(0, 16)]
        out_v[...] = _lane(tot, 0) / (_lane(tot, 1) + EPSILON)
        pltpu.sync_copy(out_v, out_hbm)


def kernel(hazard, is_event, event_time):
    hazard = hazard.reshape(-1).astype(jnp.float32)
    is_event = is_event.reshape(-1).astype(jnp.float32)
    et = event_time.reshape(-1).astype(jnp.int32)

    mesh = plsc.VectorSubcoreMesh(core_axis_name="c", subcore_axis_name="s",
                                  num_cores=1)
    run = pl.kernel(
        _cox_body,
        out_type=jax.ShapeDtypeStruct((16,), jnp.float32),
        mesh=mesh,
        compiler_params=pltpu.CompilerParams(needs_layout_passes=False),
        scratch_types=[
            pltpu.VMEM((PER_TILE,), jnp.float32),
            pltpu.VMEM((PER_TILE,), jnp.float32),
            pltpu.VMEM((128,), jnp.int32),
            pltpu.VMEM((128,), jnp.int32),
            pltpu.VMEM((128,), jnp.float32),
            pltpu.VMEM((128,), jnp.float32),
            pltpu.VMEM((16,), jnp.int32),
            pltpu.VMEM((STRIPE,), jnp.float32),
            pltpu.VMEM((STRIPE,), jnp.float32),
            pltpu.VMEM((STRIPE,), jnp.float32),
            pltpu.VMEM((NBUCKETS,), jnp.float32),
            pltpu.VMEM((NTILES * 16,), jnp.float32),
            pltpu.VMEM((16,), jnp.float32),
            pltpu.VMEM((16,), jnp.float32),
            pltpu.VMEM((16,), jnp.float32),
            pltpu.VMEM_SHARED((NBUCKETS,), jnp.float32),
            pltpu.VMEM_SHARED((NBUCKETS,), jnp.float32),
            pltpu.VMEM_SHARED((NBUCKETS,), jnp.float32),
            pltpu.VMEM_SHARED((NTILES * 16,), jnp.float32),
            pltpu.VMEM_SHARED((16,), jnp.float32),
            pltpu.SemaphoreType.DMA,
            pltpu.SemaphoreType.DMA,
            pltpu.SemaphoreType.DMA,
            pltpu.SemaphoreType.DMA,
        ],
    )
    out = run(hazard, is_event, et)
    return out[0]

# --- scband reference (transcript-rebuilt; emitter-appended) ---
"""Pipeline reference for scband-cox-nll-24275155157230 (READ-ONLY COPY).

The authoritative reference and input builder live on the scoring server;
editing this copy changes nothing except your own understanding.
"""

import jax, jax.numpy as jnp
import numpy as np

TIME_UNIT = 1
EPSILON = 1e-07
N = 4096

def setup_inputs(seed: int = 0) -> dict:
    key = jax.random.key(seed)
    k1, k2, k3 = jax.random.split(key, 3)
    hazard = jax.random.normal(k1, (N,), dtype=jnp.float32)
    is_event = jax.random.randint(k2, (N,), 0, 2).astype(jnp.float32)
    event_time = jax.random.randint(k3, (N,), 0, 1000).astype(jnp.int64)
    return {"hazard": hazard, "is_event": is_event, "event_time": event_time}

def reference(hazard, is_event, event_time):
    # Cox NLL, Breslow ties (random_ties=False path)
    hazard = hazard.reshape(-1).astype(jnp.float32)
    is_event = is_event.astype(jnp.float32)
    et = (event_time.astype(jnp.float32) / TIME_UNIT).astype(jnp.int32)
    n_events = jnp.sum(is_event)
    # risk_set[i, j] = (T_j >= T_i)
    risk_set = et[None, :] >= et[:, None]
    logits = jnp.where(risk_set, hazard[None, :], -jnp.inf)
    lse = jax.scipy.special.logsumexp(logits, axis=1)
    loss_per_sample = is_event * (lse - hazard)
    loss = jnp.sum(loss_per_sample) / (n_events + EPSILON)
    return loss

if __name__ == "__main__":
    import jax
    _d = setup_inputs()
    print(jax.jit(kernel)(*tuple(_d.values())))

</pallas_src>

<mosaic_0001>
#map = affine_map<(d0, d1) -> (0)>
module attributes {stable_mosaic.version = 14 : i64} {
  func.func @_cox_body(%arg0: i32, %arg1: i32, %arg2: memref<4096xf32, #tpu.memory_space<hbm>>, %arg3: memref<4096xf32, #tpu.memory_space<hbm>>, %arg4: memref<4096xi32, #tpu.memory_space<hbm>>, %arg5: memref<16xf32, #tpu.memory_space<hbm>>, %arg6: memref<256xf32, #tpu.memory_space<vmem>>, %arg7: memref<256xf32, #tpu.memory_space<vmem>>, %arg8: memref<128xi32, #tpu.memory_space<vmem>>, %arg9: memref<128xi32, #tpu.memory_space<vmem>>, %arg10: memref<128xf32, #tpu.memory_space<vmem>>, %arg11: memref<128xf32, #tpu.memory_space<vmem>>, %arg12: memref<16xi32, #tpu.memory_space<vmem>>, %arg13: memref<64xf32, #tpu.memory_space<vmem>>, %arg14: memref<64xf32, #tpu.memory_space<vmem>>, %arg15: memref<64xf32, #tpu.memory_space<vmem>>, %arg16: memref<1024xf32, #tpu.memory_space<vmem>>, %arg17: memref<256xf32, #tpu.memory_space<vmem>>, %arg18: memref<16xf32, #tpu.memory_space<vmem>>, %arg19: memref<16xf32, #tpu.memory_space<vmem>>, %arg20: memref<16xf32, #tpu.memory_space<vmem>>, %arg21: memref<1024xf32, #tpu.memory_space<vmem_shared>>, %arg22: memref<1024xf32, #tpu.memory_space<vmem_shared>>, %arg23: memref<1024xf32, #tpu.memory_space<vmem_shared>>, %arg24: memref<256xf32, #tpu.memory_space<vmem_shared>>, %arg25: memref<16xf32, #tpu.memory_space<vmem_shared>>, %arg26: memref<!tpu.dma_semaphore, #tpu.memory_space<semaphore_mem>>, %arg27: memref<!tpu.dma_semaphore, #tpu.memory_space<semaphore_mem>>, %arg28: memref<!tpu.dma_semaphore, #tpu.memory_space<semaphore_mem>>, %arg29: memref<!tpu.dma_semaphore, #tpu.memory_space<semaphore_mem>>) attributes {dimension_semantics = [#tpu.dimension_semantics<core_parallel>, #tpu.dimension_semantics<subcore_parallel>], iteration_bounds = array<i64: 1, 16>, scalar_prefetch = 0 : i64, scratch_operands = 24 : i64, tpu.core_type = #tpu.core_type<sc_vector_subcore>, window_params = [{transform_indices = #map}, {transform_indices = #map}, {transform_indices = #map}, {transform_indices = #map}]} {
    %mul3A = arith.constant 256 : i32
    %mul3A_0 = arith.muli %arg1, %mul3A : i32
    %iota3A = tpu.iota {dimensions = array<i32: 0>} : vector<16xi32>
    %broadcast_in_dim3A = arith.constant 0.000000e+00 : f32
    %broadcast_in_dim3A_1 = vector.broadcast %broadcast_in_dim3A : f32 to vector<16xf32>
    %dma_start3A = tpu.memref_slice %arg2[%mul3A_0] : memref<4096xf32, #tpu.memory_space<hbm>> -> memref<256xf32, #tpu.memory_space<hbm>>
    %dma_start3A_2 = tpu.memref_slice %arg2[%mul3A_0] : memref<4096xf32, #tpu.memory_space<hbm>> -> memref<256xf32, #tpu.memory_space<hbm>>
    tpu.enqueue_dma source(%dma_start3A_2 : memref<256xf32, #tpu.memory_space<hbm>>) target(%arg6 : memref<256xf32, #tpu.memory_space<vmem>>) target_semaphore(%arg26 : memref<!tpu.dma_semaphore, #tpu.memory_space<semaphore_mem>>)
    %dma_start3A_3 = tpu.memref_slice %arg4[%mul3A_0] : memref<4096xi32, #tpu.memory_space<hbm>> -> memref<128xi32, #tpu.memory_space<hbm>>
    %dma_start3A_4 = tpu.memref_slice %arg4[%mul3A_0] : memref<4096xi32, #tpu.memory_space<hbm>> -> memref<128xi32, #tpu.memory_space<hbm>>
    tpu.enqueue_dma source(%dma_start3A_4 : memref<128xi32, #tpu.memory_space<hbm>>) target(%arg8 : memref<128xi32, #tpu.memory_space<vmem>>) target_semaphore(%arg27 : memref<!tpu.dma_semaphore, #tpu.memory_space<semaphore_mem>>)
    %add3A = arith.constant 128 : i32
    %add3A_5 = arith.addi %mul3A_0, %add3A : i32
    %dma_start3A_6 = tpu.memref_slice %arg4[%add3A_5] : memref<4096xi32, #tpu.memory_space<hbm>> -> memref<128xi32, #tpu.memory_space<hbm>>
    %dma_start3A_7 = tpu.memref_slice %arg4[%add3A_5] : memref<4096xi32, #tpu.memory_space<hbm>> -> memref<128xi32, #tpu.memory_space<hbm>>
    tpu.enqueue_dma source(%dma_start3A_7 : memref<128xi32, #tpu.memory_space<hbm>>) target(%arg9 : memref<128xi32, #tpu.memory_space<vmem>>) target_semaphore(%arg27 : memref<!tpu.dma_semaphore, #tpu.memory_space<semaphore_mem>>)
    %dma_start3A_8 = tpu.memref_slice %arg3[%mul3A_0] : memref<4096xf32, #tpu.memory_space<hbm>> -> memref<256xf32, #tpu.memory_space<hbm>>
    %dma_start3A_9 = tpu.memref_slice %arg3[%mul3A_0] : memref<4096xf32, #tpu.memory_space<hbm>> -> memref<256xf32, #tpu.memory_space<hbm>>
    tpu.enqueue_dma source(%dma_start3A_9 : memref<256xf32, #tpu.memory_space<hbm>>) target(%arg7 : memref<256xf32, #tpu.memory_space<vmem>>) target_semaphore(%arg28 : memref<!tpu.dma_semaphore, #tpu.memory_space<semaphore_mem>>)
    %swap3A = arith.constant 0 : index
    %swap3A_10 = tpu.vector_load %arg13[%swap3A] {strides = array<i32>} : memref<64xf32, #tpu.memory_space<vmem>>, vector<16xf32>,
    tpu.vector_store %arg13[%swap3A], %broadcast_in_dim3A_1 {strides = array<i32>} : memref<64xf32, #tpu.memory_space<vmem>>, vector<16xf32>,
    %swap3A_11 = arith.constant 16 : index
    %swap3A_12 = tpu.vector_load %arg13[%swap3A_11] {strides = array<i32>} : memref<64xf32, #tpu.memory_space<vmem>>, vector<16xf32>,
    tpu.vector_store %arg13[%swap3A_11], %broadcast_in_dim3A_1 {strides = array<i32>} : memref<64xf32, #tpu.memory_space<vmem>>, vector<16xf32>,
    %swap3A_13 = arith.constant 32 : index
    %swap3A_14 = tpu.vector_load %arg13[%swap3A_13] {strides = array<i32>} : memref<64xf32, #tpu.memory_space<vmem>>, vector<16xf32>,
    tpu.vector_store %arg13[%swap3A_13], %broadcast_in_dim3A_1 {strides = array<i32>} : memref<64xf32, #tpu.memory_space<vmem>>, vector<16xf32>,
    %swap3A_15 = arith.constant 48 : index
    %swap3A_16 = tpu.vector_load %arg13[%swap3A_15] {strides = array<i32>} : memref<64xf32, #tpu.memory_space<vmem>>, vector<16xf32>,
    tpu.vector_store %arg13[%swap3A_15], %broadcast_in_dim3A_1 {strides = array<i32>} : memref<64xf32, #tpu.memory_space<vmem>>, vector<16xf32>,
    %swap3A_17 = arith.constant 0 : index
    %swap3A_18 = tpu.vector_load %arg12[%swap3A_17] {strides = array<i32>} : memref<16xi32, #tpu.memory_space<vmem>>, vector<16xi32>,
    tpu.vector_store %arg12[%swap3A_17], %iota3A {strides = array<i32>} : memref<16xi32, #tpu.memory_space<vmem>>, vector<16xi32>,
    %mul3A_19 = arith.constant 64 : i32
    %mul3A_20 = arith.muli %arg1, %mul3A_19 : i32
    %dma_start3A_21 = tpu.memref_slice %arg21[%mul3A_20] : memref<1024xf32, #tpu.memory_space<vmem_shared>> -> memref<64xf32, #tpu.memory_space<vmem_shared>>
    %dma_start3A_22 = tpu.memref_slice %arg21[%mul3A_20] : memref<1024xf32, #tpu.memory_space<vmem_shared>> -> memref<64xf32, #tpu.memory_space<vmem_shared>>
    tpu.enqueue_dma source(%arg13 : memref<64xf32, #tpu.memory_space<vmem>>) target(%dma_start3A_22 : memref<64xf32, #tpu.memory_space<vmem_shared>>) target_semaphore(%arg29 : memref<!tpu.dma_semaphore, #tpu.memory_space<semaphore_mem>>)
    %mul3A_23 = arith.constant 64 : i32
    %mul3A_24 = arith.muli %arg1, %mul3A_23 : i32
    %dma_start3A_25 = tpu.memref_slice %arg22[%mul3A_24] : memref<1024xf32, #tpu.memory_space<vmem_shared>> -> memref<64xf32, #tpu.memory_space<vmem_shared>>
    %dma_start3A_26 = tpu.memref_slice %arg22[%mul3A_24] : memref<1024xf32, #tpu.memory_space<vmem_shared>> -> memref<64xf32, #tpu.memory_space<vmem_shared>>
    tpu.enqueue_dma source(%arg13 : memref<64xf32, #tpu.memory_space<vmem>>) target(%dma_start3A_26 : memref<64xf32, #tpu.memory_space<vmem_shared>>) target_semaphore(%arg29 : memref<!tpu.dma_semaphore, #tpu.memory_space<semaphore_mem>>)
    %eq3A = arith.constant 0 : i32
    %eq3A_27 = arith.cmpi eq, %arg1, %eq3A : i32
    %convert_element_type3A = arith.extui %eq3A_27 : i1 to i32
    %cond3A = arith.constant 0 : i32
    %cond3A_28 = arith.cmpi ne, %convert_element_type3A, %cond3A : i32
    scf.if %cond3A_28 {
      "tpu.region"() ({
        %run_scoped3A = tpu.sem_alloc : memref<!tpu.dma_semaphore, #tpu.memory_space<semaphore_mem>>
        %dma_start3A_1517 = arith.constant 0 : i32
        %dma_start3A_1518 = tpu.memref_slice %arg13[%dma_start3A_1517] : memref<64xf32, #tpu.memory_space<vmem>> -> memref<16xf32, #tpu.memory_space<vmem>>
        %dma_start3A_1519 = arith.constant 0 : i32
        %dma_start3A_1520 = tpu.memref_slice %arg13[%dma_start3A_1519] : memref<64xf32, #tpu.memory_space<vmem>> -> memref<16xf32, #tpu.memory_space<vmem>>
        tpu.enqueue_dma source(%dma_start3A_1520 : memref<16xf32, #tpu.memory_space<vmem>>) target(%arg25 : memref<16xf32, #tpu.memory_space<vmem_shared>>) target_semaphore(%run_scoped3A : memref<!tpu.dma_semaphore, #tpu.memory_space<semaphore_mem>>)
        %dma_wait3A_1521 = arith.constant 0 : i32
        %dma_wait3A_1522 = tpu.memref_slice %arg13[%dma_wait3A_1521] : memref<64xf32, #tpu.memory_space<vmem>> -> memref<16xf32, #tpu.memory_space<vmem>>
        %dma_wait3A_1523 = arith.constant 0 : i32
        %dma_wait3A_1524 = tpu.memref_slice %arg13[%dma_wait3A_1523] : memref<64xf32, #tpu.memory_space<vmem>> -> memref<16xf32, #tpu.memory_space<vmem>>
        tpu.wait_dma2 semaphore(%run_scoped3A : memref<!tpu.dma_semaphore, #tpu.memory_space<semaphore_mem>>) src(%dma_wait3A_1524 : memref<16xf32, #tpu.memory_space<vmem>>) dst(%arg25 : memref<16xf32, #tpu.memory_space<vmem_shared>>)
        tpu.yield
      }) : () -> ()
    } else {
    }
    %dma_wait3A = tpu.memref_slice %arg21[%mul3A_20] : memref<1024xf32, #tpu.memory_space<vmem_shared>> -> memref<64xf32, #tpu.memory_space<vmem_shared>>
    %dma_wait3A_29 = tpu.memref_slice %arg21[%mul3A_20] : memref<1024xf32, #tpu.memory_space<vmem_shared>> -> memref<64xf32, #tpu.memory_space<vmem_shared>>
    tpu.wait_dma2 semaphore(%arg29 : memref<!tpu.dma_semaphore, #tpu.memory_space<semaphore_mem>>) src(%arg13 : memref<64xf32, #tpu.memory_space<vmem>>) dst(%dma_wait3A_29 : memref<64xf32, #tpu.memory_space<vmem_shared>>)
    %dma_wait3A_30 = tpu.memref_slice %arg22[%mul3A_24] : memref<1024xf32, #tpu.memory_space<vmem_shared>> -> memref<64xf32, #tpu.memory_space<vmem_shared>>
    %dma_wait3A_31 = tpu.memref_slice %arg22[%mul3A_24] : memref<1024xf32, #tpu.memory_space<vmem_shared>> -> memref<64xf32, #tpu.memory_space<vmem_shared>>
    tpu.wait_dma2 semaphore(%arg29 : memref<!tpu.dma_semaphore, #tpu.memory_space<semaphore_mem>>) src(%arg13 : memref<64xf32, #tpu.memory_space<vmem>>) dst(%dma_wait3A_31 : memref<64xf32, #tpu.memory_space<vmem_shared>>)
    %barrier3A = arith.constant 0 : index
    tpu.barrier barrier_id(%barrier3A)
    %dma_wait3A_32 = tpu.memref_slice %arg2[%mul3A_0] : memref<4096xf32, #tpu.memory_space<hbm>> -> memref<256xf32, #tpu.memory_space<hbm>>
    %dma_wait3A_33 = tpu.memref_slice %arg2[%mul3A_0] : memref<4096xf32, #tpu.memory_space<hbm>> -> memref<256xf32, #tpu.memory_space<hbm>>
    tpu.wait_dma2 semaphore(%arg26 : memref<!tpu.dma_semaphore, #tpu.memory_space<semaphore_mem>>) src(%dma_wait3A_33 : memref<256xf32, #tpu.memory_space<hbm>>) dst(%arg6 : memref<256xf32, #tpu.memory_space<vmem>>)
    %get3A = arith.constant 0 : index
    %get3A_34 = tpu.vector_load %arg6[%get3A] {strides = array<i32>} : memref<256xf32, #tpu.memory_space<vmem>>, vector<16xf32>,
    %exp3A = math.exp %get3A_34 : vector<16xf32>
    %swap3A_35 = arith.constant 0 : index
    %swap3A_36 = tpu.vector_load %arg10[%swap3A_35] {strides = array<i32>} : memref<128xf32, #tpu.memory_space<vmem>>, vector<16xf32>,
    tpu.vector_store %arg10[%swap3A_35], %exp3A {strides = array<i32>} : memref<128xf32, #tpu.memory_space<vmem>>, vector<16xf32>,
    %get3A_37 = arith.constant 16 : index
    %get3A_38 = tpu.vector_load %arg6[%get3A_37] {strides = array<i32>} : memref<256xf32, #tpu.memory_space<vmem>>, vector<16xf32>,
    %exp3A_39 = math.exp %get3A_38 : vector<16xf32>
    %swap3A_40 = arith.constant 16 : index
    %swap3A_41 = tpu.vector_load %arg10[%swap3A_40] {strides = array<i32>} : memref<128xf32, #tpu.memory_space<vmem>>, vector<16xf32>,
    tpu.vector_store %arg10[%swap3A_40], %exp3A_39 {strides = array<i32>} : memref<128xf32, #tpu.memory_space<vmem>>, vector<16xf32>,
    %get3A_42 = arith.constant 32 : index
    %get3A_43 = tpu.vector_load %arg6[%get3A_42] {strides = array<i32>} : memref<256xf32, #tpu.memory_space<vmem>>, vector<16xf32>,
    %exp3A_44 = math.exp %get3A_43 : vector<16xf32>
    %swap3A_45 = arith.constant 32 : index
    %swap3A_46 = tpu.vector_load %arg10[%swap3A_45] {strides = array<i32>} : memref<128xf32, #tpu.memory_space<vmem>>, vector<16xf32>,
    tpu.vector_store %arg10[%swap3A_45], %exp3A_44 {strides = array<i32>} : memref<128xf32, #tpu.memory_space<vmem>>, vector<16xf32>,
    %get3A_47 = arith.constant 48 : index
    %get3A_48 = tpu.vector_load %arg6[%get3A_47] {strides = array<i32>} : memref<256xf32, #tpu.memory_space<vmem>>, vector<16xf32>,
    %exp3A_49 = math.exp %get3A_48 : vector<16xf32>
    %swap3A_50 = arith.constant 48 : index
    %swap3A_51 = tpu.vector_load %arg10[%swap3A_50] {strides = array<i32>} : memref<128xf32, #tpu.memory_space<vmem>>, vector<16xf32>,
    tpu.vector_store %arg10[%swap3A_50], %exp3A_49 {strides = array<i32>} : memref<128xf32, #tpu.memory_space<vmem>>, vector<16xf32>,
    %get3A_52 = arith.constant 64 : index
    %get3A_53 = tpu.vector_load %arg6[%get3A_52] {strides = array<i32>} : memref<256xf32, #tpu.memory_space<vmem>>, vector<16xf32>,
    %exp3A_54 = math.exp %get3A_53 : vector<16xf32>
    %swap3A_55 = arith.constant 64 : index
    %swap3A_56 = tpu.vector_load %arg10[%swap3A_55] {strides = array<i32>} : memref<128xf32, #tpu.memory_space<vmem>>, vector<16xf32>,
    tpu.vector_store %arg10[%swap3A_55], %exp3A_54 {strides = array<i32>} : memref<128xf32, #tpu.memory_space<vmem>>, vector<16xf32>,
    %get3A_57 = arith.constant 80 : index
    %get3A_58 = tpu.vector_load %arg6[%get3A_57] {strides = array<i32>} : memref<256xf32, #tpu.memory_space<vmem>>, vector<16xf32>,
    %exp3A_59 = math.exp %get3A_58 : vector<16xf32>
    %swap3A_60 = arith.constant 80 : index
    %swap3A_61 = tpu.vector_load %arg10[%swap3A_60] {strides = array<i32>} : memref<128xf32, #tpu.memory_space<vmem>>, vector<16xf32>,
    tpu.vector_store %arg10[%swap3A_60], %exp3A_59 {strides = array<i32>} : memref<128xf32, #tpu.memory_space<vmem>>, vector<16xf32>,
    %get3A_62 = arith.constant 96 : index
    %get3A_63 = tpu.vector_load %arg6[%get3A_62] {strides = array<i32>} : memref<256xf32, #tpu.memory_space<vmem>>, vector<16xf32>,
    %exp3A_64 = math.exp %get3A_63 : vector<16xf32>
    %swap3A_65 = arith.constant 96 : index
    %swap3A_66 = tpu.vector_load %arg10[%swap3A_65] {strides = array<i32>} : memref<128xf32, #tpu.memory_space<vmem>>, vector<16xf32>,
    tpu.vector_store %arg10[%swap3A_65], %exp3A_64 {strides = array<i32>} : memref<128xf32, #tpu.memory_space<vmem>>, vector<16xf32>,
    %get3A_67 = arith.constant 112 : index
    %get3A_68 = tpu.vector_load %arg6[%get3A_67] {strides = array<i32>} : memref<256xf32, #tpu.memory_space<vmem>>, vector<16xf32>,
    %exp3A_69 = math.exp %get3A_68 : vector<16xf32>
    %swap3A_70 = arith.constant 112 : index
    %swap3A_71 = tpu.vector_load %arg10[%swap3A_70] {strides = array<i32>} : memref<128xf32, #tpu.memory_space<vmem>>, vector<16xf32>,
    tpu.vector_store %arg10[%swap3A_70], %exp3A_69 {strides = array<i32>} : memref<128xf32, #tpu.memory_space<vmem>>, vector<16xf32>,
    %get3A_72 = arith.constant 128 : index
    %get3A_73 = tpu.vector_load %arg6[%get3A_72] {strides = array<i32>} : memref<256xf32, #tpu.memory_space<vmem>>, vector<16xf32>,
    %exp3A_74 = math.exp %get3A_73 : vector<16xf32>
    %swap3A_75 = arith.constant 0 : index
    %swap3A_76 = tpu.vector_load %arg11[%swap3A_75] {strides = array<i32>} : memref<128xf32, #tpu.memory_space<vmem>>, vector<16xf32>,
    tpu.vector_store %arg11[%swap3A_75], %exp3A_74 {strides = array<i32>} : memref<128xf32, #tpu.memory_space<vmem>>, vector<16xf32>,
    %get3A_77 = arith.constant 144 : index
    %get3A_78 = tpu.vector_load %arg6[%get3A_77] {strides = array<i32>} : memref<256xf32, #tpu.memory_space<vmem>>, vector<16xf32>,
    %exp3A_79 = math.exp %get3A_78 : vector<16xf32>
    %swap3A_80 = arith.constant 16 : index
    %swap3A_81 = tpu.vector_load %arg11[%swap3A_80] {strides = array<i32>} : memref<128xf32, #tpu.memory_space<vmem>>, vector<16xf32>,
    tpu.vector_store %arg11[%swap3A_80], %exp3A_79 {strides = array<i32>} : memref<128xf32, #tpu.memory_space<vmem>>, vector<16xf32>,
    %get3A_82 = arith.constant 160 : index
    %get3A_83 = tpu.vector_load %arg6[%get3A_82] {strides = array<i32>} : memref<256xf32, #tpu.memory_space<vmem>>, vector<16xf32>,
    %exp3A_84 = math.exp %get3A_83 : vector<16xf32>
    %swap3A_85 = arith.constant 32 : index
    %swap3A_86 = tpu.vector_load %arg11[%swap3A_85] {strides = array<i32>} : memref<128xf32, #tpu.memory_space<vmem>>, vector<16xf32>,
    tpu.vector_store %arg11[%swap3A_85], %exp3A_84 {strides = array<i32>} : memref<128xf32, #tpu.memory_space<vmem>>, vector<16xf32>,
    %get3A_87 = arith.constant 176 : index
    %get3A_88 = tpu.vector_load %arg6[%get3A_87] {strides = array<i32>} : memref<256xf32, #tpu.memory_space<vmem>>, vector<16xf32>,
    %exp3A_89 = math.exp %get3A_88 : vector<16xf32>
    %swap3A_90 = arith.constant 48 : index
    %swap3A_91 = tpu.vector_load %arg11[%swap3A_90] {strides = array<i32>} : memref<128xf32, #tpu.memory_space<vmem>>, vector<16xf32>,
    tpu.vector_store %arg11[%swap3A_90], %exp3A_89 {strides = array<i32>} : memref<128xf32, #tpu.memory_space<vmem>>, vector<16xf32>,
    %get3A_92 = arith.constant 192 : index
    %get3A_93 = tpu.vector_load %arg6[%get3A_92] {strides = array<i32>} : memref<256xf32, #tpu.memory_space<vmem>>, vector<16xf32>,
    %exp3A_94 = math.exp %get3A_93 : vector<16xf32>
    %swap3A_95 = arith.constant 64 : index
    %swap3A_96 = tpu.vector_load %arg11[%swap3A_95] {strides = array<i32>} : memref<128xf32, #tpu.memory_space<vmem>>, vector<16xf32>,
    tpu.vector_store %arg11[%swap3A_95], %exp3A_94 {strides = array<i32>} : memref<128xf32, #tpu.memory_space<vmem>>, vector<16xf32>,
    %get3A_97 = arith.constant 208 : index
    %get3A_98 = tpu.vector_load %arg6[%get3A_97] {strides = array<i32>} : memref<256xf32, #tpu.memory_space<vmem>>, vector<16xf32>,
    %exp3A_99 = math.exp %get3A_98 : vector<16xf32>
    %swap3A_100 = arith.constant 80 : index
    %swap3A_101 = tpu.vector_load %arg11[%swap3A_100] {strides = array<i32>} : memref<128xf32, #tpu.memory_space<vmem>>, vector<16xf32>,
    tpu.vector_store %arg11[%swap3A_100], %exp3A_99 {strides = array<i32>} : memref<128xf32, #tpu.memory_space<vmem>>, vector<16xf32>,
    %get3A_102 = arith.constant 224 : index
    %get3A_103 = tpu.vector_load %arg6[%get3A_102] {strides = array<i32>} : memref<256xf32, #tpu.memory_space<vmem>>, vector<16xf32>,
    %exp3A_104 = math.exp %get3A_103 : vector<16xf32>
    %swap3A_105 = arith.constant 96 : index
    %swap3A_106 = tpu.vector_load %arg11[%swap3A_105] {strides = array<i32>} : memref<128xf32, #tpu.memory_space<vmem>>, vector<16xf32>,
    tpu.vector_store %arg11[%swap3A_105], %exp3A_104 {strides = array<i32>} : memref<128xf32, #tpu.memory_space<vmem>>, vector<16xf32>,
    %get3A_107 = arith.constant 240 : index
    %get3A_108 = tpu.vector_load %arg6[%get3A_107] {strides = array<i32>} : memref<256xf32, #tpu.memory_space<vmem>>, vector<16xf32>,
    %exp3A_109 = math.exp %get3A_108 : vector<16xf32>
    %swap3A_110 = arith.constant 112 : index
    %swap3A_111 = tpu.vector_load %arg11[%swap3A_110] {strides = array<i32>} : memref<128xf32, #tpu.memory_space<vmem>>, vector<16xf32>,
    tpu.vector_store %arg11[%swap3A_110], %exp3A_109 {strides = array<i32>} : memref<128xf32, #tpu.memory_space<vmem>>, vector<16xf32>,
    %dma_wait3A_112 = tpu.memref_slice %arg4[%mul3A_0] : memref<4096xi32, #tpu.memory_space<hbm>> -> memref<128xi32, #tpu.memory_space<hbm>>
    %dma_wait3A_113 = tpu.memref_slice %arg4[%mul3A_0] : memref<4096xi32, #tpu.memory_space<hbm>> -> memref<128xi32, #tpu.memory_space<hbm>>
    tpu.wait_dma2 semaphore(%arg27 : memref<!tpu.dma_semaphore, #tpu.memory_space<semaphore_mem>>) src(%dma_wait3A_113 : memref<128xi32, #tpu.memory_space<hbm>>) dst(%arg8 : memref<128xi32, #tpu.memory_space<vmem>>)
    %dma_wait3A_114 = tpu.memref_slice %arg4[%add3A_5] : memref<4096xi32, #tpu.memory_space<hbm>> -> memref<128xi32, #tpu.memory_space<hbm>>
    %dma_wait3A_115 = tpu.memref_slice %arg4[%add3A_5] : memref<4096xi32, #tpu.memory_space<hbm>> -> memref<128xi32, #tpu.memory_space<hbm>>
    tpu.wait_dma2 semaphore(%arg27 : memref<!tpu.dma_semaphore, #tpu.memory_space<semaphore_mem>>) src(%dma_wait3A_115 : memref<128xi32, #tpu.memory_space<hbm>>) dst(%arg9 : memref<128xi32, #tpu.memory_space<vmem>>)
    %dma_start3A_116 = arith.constant 0 : i32
    %dma_start3A_117 = tpu.memref_slice %arg21[%dma_start3A_116] : memref<1024xf32, #tpu.memory_space<vmem_shared>> -> memref<1024xf32, #tpu.memory_space<vmem_shared>>
    tpu.enqueue_indirect_dma source(%arg10 : memref<128xf32, #tpu.memory_space<vmem>>) target(%dma_start3A_117 : memref<1024xf32, #tpu.memory_space<vmem_shared>>) offsets(%arg8 : memref<128xi32, #tpu.memory_space<vmem>>) semaphore(%arg29 : memref<!tpu.dma_semaphore, #tpu.memory_space<semaphore_mem>>) {add = true}
    %dma_start3A_118 = arith.constant 0 : i32
    %dma_start3A_119 = tpu.memref_slice %arg22[%dma_start3A_118] : memref<1024xf32, #tpu.memory_space<vmem_shared>> -> memref<1024xf32, #tpu.memory_space<vmem_shared>>
    tpu.enqueue_indirect_dma source(%arg11 : memref<128xf32, #tpu.memory_space<vmem>>) target(%dma_start3A_119 : memref<1024xf32, #tpu.memory_space<vmem_shared>>) offsets(%arg9 : memref<128xi32, #tpu.memory_space<vmem>>) semaphore(%arg29 : memref<!tpu.dma_semaphore, #tpu.memory_space<semaphore_mem>>) {add = true}
    %dma_wait3A_120 = arith.constant 0 : i32
    %dma_wait3A_121 = tpu.memref_slice %arg21[%dma_wait3A_120] : memref<1024xf32, #tpu.memory_space<vmem_shared>> -> memref<1024xf32, #tpu.memory_space<vmem_shared>>
    tpu.wait_indirect_dma semaphore(%arg29 : memref<!tpu.dma_semaphore, #tpu.memory_space<semaphore_mem>>) src(%arg10 : memref<128xf32, #tpu.memory_space<vmem>>) dst(%dma_wait3A_121 : memref<1024xf32, #tpu.memory_space<vmem_shared>>)
    %dma_wait3A_122 = arith.constant 0 : i32
    %dma_wait3A_123 = tpu.memref_slice %arg22[%dma_wait3A_122] : memref<1024xf32, #tpu.memory_space<vmem_shared>> -> memref<1024xf32, #tpu.memory_space<vmem_shared>>
    tpu.wait_indirect_dma semaphore(%arg29 : memref<!tpu.dma_semaphore, #tpu.memory_space<semaphore_mem>>) src(%arg11 : memref<128xf32, #tpu.memory_space<vmem>>) dst(%dma_wait3A_123 : memref<1024xf32, #tpu.memory_space<vmem_shared>>)
    %barrier3A_124 = arith.constant 0 : index
    tpu.barrier barrier_id(%barrier3A_124)
    %mul3A_125 = arith.constant 64 : i32
    %mul3A_126 = arith.muli %arg1, %mul3A_125 : i32
    %dma_start3A_127 = tpu.memref_slice %arg21[%mul3A_126] : memref<1024xf32, #tpu.memory_space<vmem_shared>> -> memref<64xf32, #tpu.memory_space<vmem_shared>>
    %dma_start3A_128 = tpu.memref_slice %arg21[%mul3A_126] : memref<1024xf32, #tpu.memory_space<vmem_shared>> -> memref<64xf32, #tpu.memory_space<vmem_shared>>
    tpu.enqueue_dma source(%dma_start3A_128 : memref<64xf32, #tpu.memory_space<vmem_shared>>) target(%arg14 : memref<64xf32, #tpu.memory_space<vmem>>) target_semaphore(%arg29 : memref<!tpu.dma_semaphore, #tpu.memory_space<semaphore_mem>>)
    %mul3A_129 = arith.constant 64 : i32
    %mul3A_130 = arith.muli %arg1, %mul3A_129 : i32
    %dma_start3A_131 = tpu.memref_slice %arg22[%mul3A_130] : memref<1024xf32, #tpu.memory_space<vmem_shared>> -> memref<64xf32, #tpu.memory_space<vmem_shared>>
    %dma_start3A_132 = tpu.memref_slice %arg22[%mul3A_130] : memref<1024xf32, #tpu.memory_space<vmem_shared>> -> memref<64xf32, #tpu.memory_space<vmem_shared>>
    tpu.enqueue_dma source(%dma_start3A_132 : memref<64xf32, #tpu.memory_space<vmem_shared>>) target(%arg15 : memref<64xf32, #tpu.memory_space<vmem>>) target_semaphore(%arg29 : memref<!tpu.dma_semaphore, #tpu.memory_space<semaphore_mem>>)
    %dma_wait3A_133 = tpu.memref_slice %arg21[%mul3A_126] : memref<1024xf32, #tpu.memory_space<vmem_shared>> -> memref<64xf32, #tpu.memory_space<vmem_shared>>
    %dma_wait3A_134 = tpu.memref_slice %arg21[%mul3A_126] : memref<1024xf32, #tpu.memory_space<vmem_shared>> -> memref<64xf32, #tpu.memory_space<vmem_shared>>
    tpu.wait_dma2 semaphore(%arg29 : memref<!tpu.dma_semaphore, #tpu.memory_space<semaphore_mem>>) src(%dma_wait3A_134 : memref<64xf32, #tpu.memory_space<vmem_shared>>) dst(%arg14 : memref<64xf32, #tpu.memory_space<vmem>>)
    %dma_wait3A_135 = tpu.memref_slice %arg22[%mul3A_130] : memref<1024xf32, #tpu.memory_space<vmem_shared>> -> memref<64xf32, #tpu.memory_space<vmem_shared>>
    %dma_wait3A_136 = tpu.memref_slice %arg22[%mul3A_130] : memref<1024xf32, #tpu.memory_space<vmem_shared>> -> memref<64xf32, #tpu.memory_space<vmem_shared>>
    tpu.wait_dma2 semaphore(%arg29 : memref<!tpu.dma_semaphore, #tpu.memory_space<semaphore_mem>>) src(%dma_wait3A_136 : memref<64xf32, #tpu.memory_space<vmem_shared>>) dst(%arg15 : memref<64xf32, #tpu.memory_space<vmem>>)
    %get3A_137 = arith.constant 0 : index
    %get3A_138 = tpu.vector_load %arg14[%get3A_137] {strides = array<i32>} : memref<64xf32, #tpu.memory_space<vmem>>, vector<16xf32>,
    %get3A_139 = arith.constant 0 : index
    %get3A_140 = tpu.vector_load %arg15[%get3A_139] {strides = array<i32>} : memref<64xf32, #tpu.memory_space<vmem>>, vector<16xf32>,
    %add3A_141 = arith.addf %get3A_138, %get3A_140 : vector<16xf32>
    %swap3A_142 = arith.constant 0 : index
    %swap3A_143 = tpu.vector_load %arg14[%swap3A_142] {strides = array<i32>} : memref<64xf32, #tpu.memory_space<vmem>>, vector<16xf32>,
    tpu.vector_store %arg14[%swap3A_142], %add3A_141 {strides = array<i32>} : memref<64xf32, #tpu.memory_space<vmem>>, vector<16xf32>,
    %get3A_144 = arith.constant 16 : index
    %get3A_145 = tpu.vector_load %arg14[%get3A_144] {strides = array<i32>} : memref<64xf32, #tpu.memory_space<vmem>>, vector<16xf32>,
    %get3A_146 = arith.constant 16 : index
    %get3A_147 = tpu.vector_load %arg15[%get3A_146] {strides = array<i32>} : memref<64xf32, #tpu.memory_space<vmem>>, vector<16xf32>,
    %add3A_148 = arith.addf %get3A_145, %get3A_147 : vector<16xf32>
    %swap3A_149 = arith.constant 16 : index
    %swap3A_150 = tpu.vector_load %arg14[%swap3A_149] {strides = array<i32>} : memref<64xf32, #tpu.memory_space<vmem>>, vector<16xf32>,
    tpu.vector_store %arg14[%swap3A_149], %add3A_148 {strides = array<i32>} : memref<64xf32, #tpu.memory_space<vmem>>, vector<16xf32>,
    %get3A_151 = arith.constant 32 : index
    %get3A_152 = tpu.vector_load %arg14[%get3A_151] {strides = array<i32>} : memref<64xf32, #tpu.memory_space<vmem>>, vector<16xf32>,
    %get3A_153 = arith.constant 32 : index
    %get3A_154 = tpu.vector_load %arg15[%get3A_153] {strides = array<i32>} : memref<64xf32, #tpu.memory_space<vmem>>, vector<16xf32>,
    %add3A_155 = arith.addf %get3A_152, %get3A_154 : vector<16xf32>
    %swap3A_156 = arith.constant 32 : index
    %swap3A_157 = tpu.vector_load %arg14[%swap3A_156] {strides = array<i32>} : memref<64xf32, #tpu.memory_space<vmem>>, vector<16xf32>,
    tpu.vector_store %arg14[%swap3A_156], %add3A_155 {strides = array<i32>} : memref<64xf32, #tpu.memory_space<vmem>>, vector<16xf32>,
    %get3A_158 = arith.constant 48 : index
    %get3A_159 = tpu.vector_load %arg14[%get3A_158] {strides = array<i32>} : memref<64xf32, #tpu.memory_space<vmem>>, vector<16xf32>,
    %get3A_160 = arith.constant 48 : index
    %get3A_161 = tpu.vector_load %arg15[%get3A_160] {strides = array<i32>} : memref<64xf32, #tpu.memory_space<vmem>>, vector<16xf32>,
    %add3A_162 = arith.addf %get3A_159, %get3A_161 : vector<16xf32>
    %swap3A_163 = arith.constant 48 : index
    %swap3A_164 = tpu.vector_load %arg14[%swap3A_163] {strides = array<i32>} : memref<64xf32, #tpu.memory_space<vmem>>, vector<16xf32>,
    tpu.vector_store %arg14[%swap3A_163], %add3A_162 {strides = array<i32>} : memref<64xf32, #tpu.memory_space<vmem>>, vector<16xf32>,
    %get3A_165 = arith.constant 48 : index
    %get3A_166 = tpu.vector_load %arg14[%get3A_165] {strides = array<i32>} : memref<64xf32, #tpu.memory_space<vmem>>, vector<16xf32>,
    %rev3A = arith.constant 15 : i32
    %rev3A_167 = vector.broadcast %rev3A : i32 to vector<16xi32>
    %rev3A_168 = tpu.iota {dimensions = array<i32: 0>} : vector<16xi32>
    %rev3A_169 = arith.subi %rev3A_167, %rev3A_168 : vector<16xi32>
    %rev3A_170 = tpu.dynamic_gather %get3A_166[%rev3A_169] in [0] : vector<16xf32>, vector<16xi32> -> vector<16xf32>
    %broadcast_in_dim3A_171 = arith.constant true
    %broadcast_in_dim3A_172 = vector.broadcast %broadcast_in_dim3A_171 : i1 to vector<16xi1>
    %masked_cumsum3A = tpu.scan <sum>, %rev3A_170 masked %broadcast_in_dim3A_172 : vector<16xf32>, vector<16xi1> -> vector<16xf32>
    %rev3A_173 = arith.constant 15 : i32
    %rev3A_174 = vector.broadcast %rev3A_173 : i32 to vector<16xi32>
    %rev3A_175 = tpu.iota {dimensions = array<i32: 0>} : vector<16xi32>
    %rev3A_176 = arith.subi %rev3A_174, %rev3A_175 : vector<16xi32>
    %rev3A_177 = tpu.dynamic_gather %masked_cumsum3A[%rev3A_176] in [0] : vector<16xf32>, vector<16xi32> -> vector<16xf32>
    %add3A_178 = arith.addf %rev3A_177, %broadcast_in_dim3A_1 : vector<16xf32>
    %swap3A_179 = arith.constant 48 : index
    %swap3A_180 = tpu.vector_load %arg14[%swap3A_179] {strides = array<i32>} : memref<64xf32, #tpu.memory_space<vmem>>, vector<16xf32>,
    tpu.vector_store %arg14[%swap3A_179], %add3A_178 {strides = array<i32>} : memref<64xf32, #tpu.memory_space<vmem>>, vector<16xf32>,
    %broadcast_in_dim3A_181 = arith.constant 15 : i32
    %broadcast_in_dim3A_182 = vector.broadcast %broadcast_in_dim3A_181 : i32 to vector<16x1xi32>
    %gather3A = vector.shape_cast %broadcast_in_dim3A_182 : vector<16x1xi32> to vector<16xi32>
    %gather3A_183 = tpu.dynamic_gather %masked_cumsum3A[%gather3A] in [0] : vector<16xf32>, vector<16xi32> -> vector<16xf32>
    %add3A_184 = arith.addf %broadcast_in_dim3A_1, %gather3A_183 : vector<16xf32>
    %get3A_185 = arith.constant 32 : index
    %get3A_186 = tpu.vector_load %arg14[%get3A_185] {strides = array<i32>} : memref<64xf32, #tpu.memory_space<vmem>>, vector<16xf32>,
    %rev3A_187 = arith.constant 15 : i32
    %rev3A_188 = vector.broadcast %rev3A_187 : i32 to vector<16xi32>
    %rev3A_189 = tpu.iota {dimensions = array<i32: 0>} : vector<16xi32>
    %rev3A_190 = arith.subi %rev3A_188, %rev3A_189 : vector<16xi32>
    %rev3A_191 = tpu.dynamic_gather %get3A_186[%rev3A_190] in [0] : vector<16xf32>, vector<16xi32> -> vector<16xf32>
    %broadcast_in_dim3A_192 = arith.constant true
    %broadcast_in_dim3A_193 = vector.broadcast %broadcast_in_dim3A_192 : i1 to vector<16xi1>
    %masked_cumsum3A_194 = tpu.scan <sum>, %rev3A_191 masked %broadcast_in_dim3A_193 : vector<16xf32>, vector<16xi1> -> vector<16xf32>
    %rev3A_195 = arith.constant 15 : i32
    %rev3A_196 = vector.broadcast %rev3A_195 : i32 to vector<16xi32>
    %rev3A_197 = tpu.iota {dimensions = array<i32: 0>} : vector<16xi32>
    %rev3A_198 = arith.subi %rev3A_196, %rev3A_197 : vector<16xi32>
    %rev3A_199 = tpu.dynamic_gather %masked_cumsum3A_194[%rev3A_198] in [0] : vector<16xf32>, vector<16xi32> -> vector<16xf32>
    %add3A_200 = arith.addf %rev3A_199, %add3A_184 : vector<16xf32>
    %swap3A_201 = arith.constant 32 : index
    %swap3A_202 = tpu.vector_load %arg14[%swap3A_201] {strides = array<i32>} : memref<64xf32, #tpu.memory_space<vmem>>, vector<16xf32>,
    tpu.vector_store %arg14[%swap3A_201], %add3A_200 {strides = array<i32>} : memref<64xf32, #tpu.memory_space<vmem>>, vector<16xf32>,
    %broadcast_in_dim3A_203 = arith.constant 15 : i32
    %broadcast_in_dim3A_204 = vector.broadcast %broadcast_in_dim3A_203 : i32 to vector<16x1xi32>
    %gather3A_205 = vector.shape_cast %broadcast_in_dim3A_204 : vector<16x1xi32> to vector<16xi32>
    %gather3A_206 = tpu.dynamic_gather %masked_cumsum3A_194[%gather3A_205] in [0] : vector<16xf32>, vector<16xi32> -> vector<16xf32>
    %add3A_207 = arith.addf %add3A_184, %gather3A_206 : vector<16xf32>
    %get3A_208 = arith.constant 16 : index
    %get3A_209 = tpu.vector_load %arg14[%get3A_208] {strides = array<i32>} : memref<64xf32, #tpu.memory_space<vmem>>, vector<16xf32>,
    %rev3A_210 = arith.constant 15 : i32
    %rev3A_211 = vector.broadcast %rev3A_210 : i32 to vector<16xi32>
    %rev3A_212 = tpu.iota {dimensions = array<i32: 0>} : vector<16xi32>
    %rev3A_213 = arith.subi %rev3A_211, %rev3A_212 : vector<16xi32>
    %rev3A_214 = tpu.dynamic_gather %get3A_209[%rev3A_213] in [0] : vector<16xf32>, vector<16xi32> -> vector<16xf32>
    %broadcast_in_dim3A_215 = arith.constant true
    %broadcast_in_dim3A_216 = vector.broadcast %broadcast_in_dim3A_215 : i1 to vector<16xi1>
    %masked_cumsum3A_217 = tpu.scan <sum>, %rev3A_214 masked %broadcast_in_dim3A_216 : vector<16xf32>, vector<16xi1> -> vector<16xf32>
    %rev3A_218 = arith.constant 15 : i32
    %rev3A_219 = vector.broadcast %rev3A_218 : i32 to vector<16xi32>
    %rev3A_220 = tpu.iota {dimensions = array<i32: 0>} : vector<16xi32>
    %rev3A_221 = arith.subi %rev3A_219, %rev3A_220 : vector<16xi32>
    %rev3A_222 = tpu.dynamic_gather %masked_cumsum3A_217[%rev3A_221] in [0] : vector<16xf32>, vector<16xi32> -> vector<16xf32>
    %add3A_223 = arith.addf %rev3A_222, %add3A_207 : vector<16xf32>
    %swap3A_224 = arith.constant 16 : index
    %swap3A_225 = tpu.vector_load %arg14[%swap3A_224] {strides = array<i32>} : memref<64xf32, #tpu.memory_space<vmem>>, vector<16xf32>,
    tpu.vector_store %arg14[%swap3A_224], %add3A_223 {strides = array<i32>} : memref<64xf32, #tpu.memory_space<vmem>>, vector<16xf32>,
    %broadcast_in_dim3A_226 = arith.constant 15 : i32
    %broadcast_in_dim3A_227 = vector.broadcast %broadcast_in_dim3A_226 : i32 to vector<16x1xi32>
    %gather3A_228 = vector.shape_cast %broadcast_in_dim3A_227 : vector<16x1xi32> to vector<16xi32>
    %gather3A_229 = tpu.dynamic_gather %masked_cumsum3A_217[%gather3A_228] in [0] : vector<16xf32>, vector<16xi32> -> vector<16xf32>
    %add3A_230 = arith.addf %add3A_207, %gather3A_229 : vector<16xf32>
    %get3A_231 = arith.constant 0 : index
    %get3A_232 = tpu.vector_load %arg14[%get3A_231] {strides = array<i32>} : memref<64xf32, #tpu.memory_space<vmem>>, vector<16xf32>,
    %rev3A_233 = arith.constant 15 : i32
    %rev3A_234 = vector.broadcast %rev3A_233 : i32 to vector<16xi32>
    %rev3A_235 = tpu.iota {dimensions = array<i32: 0>} : vector<16xi32>
    %rev3A_236 = arith.subi %rev3A_234, %rev3A_235 : vector<16xi32>
    %rev3A_237 = tpu.dynamic_gather %get3A_232[%rev3A_236] in [0] : vector<16xf32>, vector<16xi32> -> vector<16xf32>
    %broadcast_in_dim3A_238 = arith.constant true
    %broadcast_in_dim3A_239 = vector.broadcast %broadcast_in_dim3A_238 : i1 to vector<16xi1>
    %masked_cumsum3A_240 = tpu.scan <sum>, %rev3A_237 masked %broadcast_in_dim3A_239 : vector<16xf32>, vector<16xi1> -> vector<16xf32>
    %rev3A_241 = arith.constant 15 : i32
    %rev3A_242 = vector.broadcast %rev3A_241 : i32 to vector<16xi32>
    %rev3A_243 = tpu.iota {dimensions = array<i32: 0>} : vector<16xi32>
    %rev3A_244 = arith.subi %rev3A_242, %rev3A_243 : vector<16xi32>
    %rev3A_245 = tpu.dynamic_gather %masked_cumsum3A_240[%rev3A_244] in [0] : vector<16xf32>, vector<16xi32> -> vector<16xf32>
    %add3A_246 = arith.addf %rev3A_245, %add3A_230 : vector<16xf32>
    %swap3A_247 = arith.constant 0 : index
    %swap3A_248 = tpu.vector_load %arg14[%swap3A_247] {strides = array<i32>} : memref<64xf32, #tpu.memory_space<vmem>>, vector<16xf32>,
    tpu.vector_store %arg14[%swap3A_247], %add3A_246 {strides = array<i32>} : memref<64xf32, #tpu.memory_space<vmem>>, vector<16xf32>,
    %broadcast_in_dim3A_249 = arith.constant 15 : i32
    %broadcast_in_dim3A_250 = vector.broadcast %broadcast_in_dim3A_249 : i32 to vector<16x1xi32>
    %gather3A_251 = vector.shape_cast %broadcast_in_dim3A_250 : vector<16x1xi32> to vector<16xi32>
    %gather3A_252 = tpu.dynamic_gather %masked_cumsum3A_240[%gather3A_251] in [0] : vector<16xf32>, vector<16xi32> -> vector<16xf32>
    %add3A_253 = arith.addf %add3A_230, %gather3A_252 : vector<16xf32>
    %mul3A_254 = arith.constant 64 : i32
    %mul3A_255 = arith.muli %arg1, %mul3A_254 : i32
    %dma_start3A_256 = tpu.memref_slice %arg23[%mul3A_255] : memref<1024xf32, #tpu.memory_space<vmem_shared>> -> memref<64xf32, #tpu.memory_space<vmem_shared>>
    %dma_start3A_257 = tpu.memref_slice %arg23[%mul3A_255] : memref<1024xf32, #tpu.memory_space<vmem_shared>> -> memref<64xf32, #tpu.memory_space<vmem_shared>>
    tpu.enqueue_dma source(%arg14 : memref<64xf32, #tpu.memory_space<vmem>>) target(%dma_start3A_257 : memref<64xf32, #tpu.memory_space<vmem_shared>>) target_semaphore(%arg29 : memref<!tpu.dma_semaphore, #tpu.memory_space<semaphore_mem>>)
    %swap3A_258 = arith.constant 0 : index
    %swap3A_259 = tpu.vector_load %arg19[%swap3A_258] {strides = array<i32>} : memref<16xf32, #tpu.memory_space<vmem>>, vector<16xf32>,
    tpu.vector_store %arg19[%swap3A_258], %add3A_253 {strides = array<i32>} : memref<16xf32, #tpu.memory_space<vmem>>, vector<16xf32>,
    %mul3A_260 = arith.constant 16 : i32
    %mul3A_261 = arith.muli %arg1, %mul3A_260 : i32
    %dma_start3A_262 = tpu.memref_slice %arg24[%mul3A_261] : memref<256xf32, #tpu.memory_space<vmem_shared>> -> memref<16xf32, #tpu.memory_space<vmem_shared>>
    %dma_start3A_263 = tpu.memref_slice %arg24[%mul3A_261] : memref<256xf32, #tpu.memory_space<vmem_shared>> -> memref<16xf32, #tpu.memory_space<vmem_shared>>
    tpu.enqueue_dma source(%arg19 : memref<16xf32, #tpu.memory_space<vmem>>) target(%dma_start3A_263 : memref<16xf32, #tpu.memory_space<vmem_shared>>) target_semaphore(%arg29 : memref<!tpu.dma_semaphore, #tpu.memory_space<semaphore_mem>>)
    %dma_wait3A_264 = tpu.memref_slice %arg23[%mul3A_255] : memref<1024xf32, #tpu.memory_space<vmem_shared>> -> memref<64xf32, #tpu.memory_space<vmem_shared>>
    %dma_wait3A_265 = tpu.memref_slice %arg23[%mul3A_255] : memref<1024xf32, #tpu.memory_space<vmem_shared>> -> memref<64xf32, #tpu.memory_space<vmem_shared>>
    tpu.wait_dma2 semaphore(%arg29 : memref<!tpu.dma_semaphore, #tpu.memory_space<semaphore_mem>>) src(%arg14 : memref<64xf32, #tpu.memory_space<vmem>>) dst(%dma_wait3A_265 : memref<64xf32, #tpu.memory_space<vmem_shared>>)
    %dma_wait3A_266 = tpu.memref_slice %arg24[%mul3A_261] : memref<256xf32, #tpu.memory_space<vmem_shared>> -> memref<16xf32, #tpu.memory_space<vmem_shared>>
    %dma_wait3A_267 = tpu.memref_slice %arg24[%mul3A_261] : memref<256xf32, #tpu.memory_space<vmem_shared>> -> memref<16xf32, #tpu.memory_space<vmem_shared>>
    tpu.wait_dma2 semaphore(%arg29 : memref<!tpu.dma_semaphore, #tpu.memory_space<semaphore_mem>>) src(%arg19 : memref<16xf32, #tpu.memory_space<vmem>>) dst(%dma_wait3A_267 : memref<16xf32, #tpu.memory_space<vmem_shared>>)
    %barrier3A_268 = arith.constant 0 : index
    tpu.barrier barrier_id(%barrier3A_268)
    tpu.enqueue_dma source(%arg23 : memref<1024xf32, #tpu.memory_space<vmem_shared>>) target(%arg16 : memref<1024xf32, #tpu.memory_space<vmem>>) target_semaphore(%arg29 : memref<!tpu.dma_semaphore, #tpu.memory_space<semaphore_mem>>)
    tpu.enqueue_dma source(%arg24 : memref<256xf32, #tpu.memory_space<vmem_shared>>) target(%arg17 : memref<256xf32, #tpu.memory_space<vmem>>) target_semaphore(%arg26 : memref<!tpu.dma_semaphore, #tpu.memory_space<semaphore_mem>>)
    tpu.wait_dma2 semaphore(%arg26 : memref<!tpu.dma_semaphore, #tpu.memory_space<semaphore_mem>>) src(%arg24 : memref<256xf32, #tpu.memory_space<vmem_shared>>) dst(%arg17 : memref<256xf32, #tpu.memory_space<vmem>>)
    %mul3A_269 = arith.constant 16 : i32
    %mul3A_270 = vector.broadcast %mul3A_269 : i32 to vector<16xi32>
    %mul3A_271 = arith.muli %iota3A, %mul3A_270 : vector<16xi32>
    %gather3A_272 = tpu.vector_load_idx %arg17[%mul3A_271] : memref<256xf32, #tpu.memory_space<vmem>>[vector<16xi32>], vector<16xf32>,
    %rev3A_273 = arith.constant 15 : i32
    %rev3A_274 = vector.broadcast %rev3A_273 : i32 to vector<16xi32>
    %rev3A_275 = tpu.iota {dimensions = array<i32: 0>} : vector<16xi32>
    %rev3A_276 = arith.subi %rev3A_274, %rev3A_275 : vector<16xi32>
    %rev3A_277 = tpu.dynamic_gather %gather3A_272[%rev3A_276] in [0] : vector<16xf32>, vector<16xi32> -> vector<16xf32>
    %broadcast_in_dim3A_278 = arith.constant true
    %broadcast_in_dim3A_279 = vector.broadcast %broadcast_in_dim3A_278 : i1 to vector<16xi1>
    %masked_cumsum3A_280 = tpu.scan <sum>, %rev3A_277 masked %broadcast_in_dim3A_279 : vector<16xf32>, vector<16xi1> -> vector<16xf32>
    %sub3A = arith.subf %masked_cumsum3A_280, %rev3A_277 : vector<16xf32>
    %rev3A_281 = arith.constant 15 : i32
    %rev3A_282 = vector.broadcast %rev3A_281 : i32 to vector<16xi32>
    %rev3A_283 = tpu.iota {dimensions = array<i32: 0>} : vector<16xi32>
    %rev3A_284 = arith.subi %rev3A_282, %rev3A_283 : vector<16xi32>
    %rev3A_285 = tpu.dynamic_gather %sub3A[%rev3A_284] in [0] : vector<16xf32>, vector<16xi32> -> vector<16xf32>
    %swap3A_286 = arith.constant 0 : index
    %swap3A_287 = tpu.vector_load %arg18[%swap3A_286] {strides = array<i32>} : memref<16xf32, #tpu.memory_space<vmem>>, vector<16xf32>,
    tpu.vector_store %arg18[%swap3A_286], %rev3A_285 {strides = array<i32>} : memref<16xf32, #tpu.memory_space<vmem>>, vector<16xf32>,
    tpu.wait_dma2 semaphore(%arg29 : memref<!tpu.dma_semaphore, #tpu.memory_space<semaphore_mem>>) src(%arg23 : memref<1024xf32, #tpu.memory_space<vmem_shared>>) dst(%arg16 : memref<1024xf32, #tpu.memory_space<vmem>>)
    %dma_wait3A_288 = tpu.memref_slice %arg3[%mul3A_0] : memref<4096xf32, #tpu.memory_space<hbm>> -> memref<256xf32, #tpu.memory_space<hbm>>
    %dma_wait3A_289 = tpu.memref_slice %arg3[%mul3A_0] : memref<4096xf32, #tpu.memory_space<hbm>> -> memref<256xf32, #tpu.memory_space<hbm>>
    tpu.wait_dma2 semaphore(%arg28 : memref<!tpu.dma_semaphore, #tpu.memory_space<semaphore_mem>>) src(%dma_wait3A_289 : memref<256xf32, #tpu.memory_space<hbm>>) dst(%arg7 : memref<256xf32, #tpu.memory_space<vmem>>)
    %get3A_290 = arith.constant 0 : index
    %get3A_291 = tpu.vector_load %arg8[%get3A_290] {strides = array<i32>} : memref<128xi32, #tpu.memory_space<vmem>>, vector<16xi32>,
    %gather3A_292 = tpu.vector_load_idx %arg16[%get3A_291] : memref<1024xf32, #tpu.memory_space<vmem>>[vector<16xi32>], vector<16xf32>,
    %shift_right_arithmetic3A = arith.constant 6 : i32
    %shift_right_arithmetic3A_293 = vector.broadcast %shift_right_arithmetic3A : i32 to vector<16xi32>
    %shift_right_arithmetic3A_294 = arith.shrsi %get3A_291, %shift_right_arithmetic3A_293 : vector<16xi32>
    %gather3A_295 = tpu.vector_load_idx %arg18[%shift_right_arithmetic3A_294] : memref<16xf32, #tpu.memory_space<vmem>>[vector<16xi32>], vector<16xf32>,
    %add3A_296 = arith.addf %gather3A_292, %gather3A_295 : vector<16xf32>
    %bitcast3A = vector.bitcast %add3A_296 : vector<16xf32> to vector<16xi32>
    %shift_right_arithmetic3A_297 = arith.constant 23 : i32
    %shift_right_arithmetic3A_298 = vector.broadcast %shift_right_arithmetic3A_297 : i32 to vector<16xi32>
    %shift_right_arithmetic3A_299 = arith.shrsi %bitcast3A, %shift_right_arithmetic3A_298 : vector<16xi32>
    %and3A = arith.constant 255 : i32
    %and3A_300 = vector.broadcast %and3A : i32 to vector<16xi32>
    %and3A_301 = arith.andi %shift_right_arithmetic3A_299, %and3A_300 : vector<16xi32>
    %sub3A_302 = arith.constant 127 : i32
    %sub3A_303 = vector.broadcast %sub3A_302 : i32 to vector<16xi32>
    %sub3A_304 = arith.subi %and3A_301, %sub3A_303 : vector<16xi32>
    %and3A_305 = arith.constant 8388607 : i32
    %and3A_306 = vector.broadcast %and3A_305 : i32 to vector<16xi32>
    %and3A_307 = arith.andi %bitcast3A, %and3A_306 : vector<16xi32>
    %or3A = arith.constant 1065353216 : i32
    %or3A_308 = vector.broadcast %or3A : i32 to vector<16xi32>
    %or3A_309 = arith.ori %and3A_307, %or3A_308 : vector<16xi32>
    %bitcast3A_310 = vector.bitcast %or3A_309 : vector<16xi32> to vector<16xf32>
    %gt3A = arith.constant 1.500000e+00 : f32
    %gt3A_311 = vector.broadcast %gt3A : f32 to vector<16xf32>
    %gt3A_312 = arith.cmpf ogt, %bitcast3A_310, %gt3A_311 : vector<16xf32>
    %mul3A_313 = arith.constant 5.000000e-01 : f32
    %mul3A_314 = vector.broadcast %mul3A_313 : f32 to vector<16xf32>
    %mul3A_315 = arith.mulf %bitcast3A_310, %mul3A_314 : vector<16xf32>
    %select_n3A = arith.select %gt3A_312, %mul3A_315, %bitcast3A_310 : vector<16xi1>, vector<16xf32>
    %add3A_316 = arith.constant 1 : i32
    %add3A_317 = vector.broadcast %add3A_316 : i32 to vector<16xi32>
    %add3A_318 = arith.addi %sub3A_304, %add3A_317 : vector<16xi32>
    %select_n3A_319 = arith.select %gt3A_312, %add3A_318, %sub3A_304 : vector<16xi1>, vector<16xi32>
    %sub3A_320 = arith.constant 1.000000e+00 : f32
    %sub3A_321 = vector.broadcast %sub3A_320 : f32 to vector<16xf32>
    %sub3A_322 = arith.subf %select_n3A, %sub3A_321 : vector<16xf32>
    %add3A_323 = arith.constant 1.000000e+00 : f32
    %add3A_324 = vector.broadcast %add3A_323 : f32 to vector<16xf32>
    %add3A_325 = arith.addf %select_n3A, %add3A_324 : vector<16xf32>
    %div3A = arith.divf %sub3A_322, %add3A_325 : vector<16xf32>
    %mul3A_326 = arith.mulf %div3A, %div3A : vector<16xf32>
    %broadcast_in_dim3A_327 = arith.constant 0.142857149 : f32
    %broadcast_in_dim3A_328 = vector.broadcast %broadcast_in_dim3A_327 : f32 to vector<16xf32>
    %mul3A_329 = arith.mulf %broadcast_in_dim3A_328, %mul3A_326 : vector<16xf32>
    %add3A_330 = arith.constant 2.000000e-01 : f32
    %add3A_331 = vector.broadcast %add3A_330 : f32 to vector<16xf32>
    %add3A_332 = arith.addf %mul3A_329, %add3A_331 : vector<16xf32>
    %mul3A_333 = arith.mulf %add3A_332, %mul3A_326 : vector<16xf32>
    %add3A_334 = arith.constant 0.333333343 : f32
    %add3A_335 = vector.broadcast %add3A_334 : f32 to vector<16xf32>
    %add3A_336 = arith.addf %mul3A_333, %add3A_335 : vector<16xf32>
    %mul3A_337 = arith.mulf %add3A_336, %mul3A_326 : vector<16xf32>
    %add3A_338 = arith.constant 1.000000e+00 : f32
    %add3A_339 = vector.broadcast %add3A_338 : f32 to vector<16xf32>
    %add3A_340 = arith.addf %mul3A_337, %add3A_339 : vector<16xf32>
    %convert_element_type3A_341 = arith.sitofp %select_n3A_319 : vector<16xi32> to vector<16xf32>
    %mul3A_342 = arith.constant 0.693147182 : f32
    %mul3A_343 = vector.broadcast %mul3A_342 : f32 to vector<16xf32>
    %mul3A_344 = arith.mulf %convert_element_type3A_341, %mul3A_343 : vector<16xf32>
    %mul3A_345 = arith.constant 2.000000e+00 : f32
    %mul3A_346 = vector.broadcast %mul3A_345 : f32 to vector<16xf32>
    %mul3A_347 = arith.mulf %mul3A_346, %div3A : vector<16xf32>
    %mul3A_348 = arith.mulf %mul3A_347, %add3A_340 : vector<16xf32>
    %add3A_349 = arith.addf %mul3A_344, %mul3A_348 : vector<16xf32>
    %get3A_350 = arith.constant 0 : index
    %get3A_351 = tpu.vector_load %arg7[%get3A_350] {strides = array<i32>} : memref<256xf32, #tpu.memory_space<vmem>>, vector<16xf32>,
    %get3A_352 = arith.constant 0 : index
    %get3A_353 = tpu.vector_load %arg6[%get3A_352] {strides = array<i32>} : memref<256xf32, #tpu.memory_space<vmem>>, vector<16xf32>,
    %sub3A_354 = arith.subf %add3A_349, %get3A_353 : vector<16xf32>
    %mul3A_355 = arith.mulf %get3A_351, %sub3A_354 : vector<16xf32>
    %add3A_356 = arith.addf %broadcast_in_dim3A_1, %mul3A_355 : vector<16xf32>
    %add3A_357 = arith.addf %broadcast_in_dim3A_1, %get3A_351 : vector<16xf32>
    %get3A_358 = arith.constant 16 : index
    %get3A_359 = tpu.vector_load %arg8[%get3A_358] {strides = array<i32>} : memref<128xi32, #tpu.memory_space<vmem>>, vector<16xi32>,
    %gather3A_360 = tpu.vector_load_idx %arg16[%get3A_359] : memref<1024xf32, #tpu.memory_space<vmem>>[vector<16xi32>], vector<16xf32>,
    %shift_right_arithmetic3A_361 = arith.constant 6 : i32
    %shift_right_arithmetic3A_362 = vector.broadcast %shift_right_arithmetic3A_361 : i32 to vector<16xi32>
    %shift_right_arithmetic3A_363 = arith.shrsi %get3A_359, %shift_right_arithmetic3A_362 : vector<16xi32>
    %gather3A_364 = tpu.vector_load_idx %arg18[%shift_right_arithmetic3A_363] : memref<16xf32, #tpu.memory_space<vmem>>[vector<16xi32>], vector<16xf32>,
    %add3A_365 = arith.addf %gather3A_360, %gather3A_364 : vector<16xf32>
    %bitcast3A_366 = vector.bitcast %add3A_365 : vector<16xf32> to vector<16xi32>
    %shift_right_arithmetic3A_367 = arith.constant 23 : i32
    %shift_right_arithmetic3A_368 = vector.broadcast %shift_right_arithmetic3A_367 : i32 to vector<16xi32>
    %shift_right_arithmetic3A_369 = arith.shrsi %bitcast3A_366, %shift_right_arithmetic3A_368 : vector<16xi32>
    %and3A_370 = arith.constant 255 : i32
    %and3A_371 = vector.broadcast %and3A_370 : i32 to vector<16xi32>
    %and3A_372 = arith.andi %shift_right_arithmetic3A_369, %and3A_371 : vector<16xi32>
    %sub3A_373 = arith.constant 127 : i32
    %sub3A_374 = vector.broadcast %sub3A_373 : i32 to vector<16xi32>
    %sub3A_375 = arith.subi %and3A_372, %sub3A_374 : vector<16xi32>
    %and3A_376 = arith.constant 8388607 : i32
    %and3A_377 = vector.broadcast %and3A_376 : i32 to vector<16xi32>
    %and3A_378 = arith.andi %bitcast3A_366, %and3A_377 : vector<16xi32>
    %or3A_379 = arith.constant 1065353216 : i32
    %or3A_380 = vector.broadcast %or3A_379 : i32 to vector<16xi32>
    %or3A_381 = arith.ori %and3A_378, %or3A_380 : vector<16xi32>
    %bitcast3A_382 = vector.bitcast %or3A_381 : vector<16xi32> to vector<16xf32>
    %gt3A_383 = arith.constant 1.500000e+00 : f32
    %gt3A_384 = vector.broadcast %gt3A_383 : f32 to vector<16xf32>
    %gt3A_385 = arith.cmpf ogt, %bitcast3A_382, %gt3A_384 : vector<16xf32>
    %mul3A_386 = arith.constant 5.000000e-01 : f32
    %mul3A_387 = vector.broadcast %mul3A_386 : f32 to vector<16xf32>
    %mul3A_388 = arith.mulf %bitcast3A_382, %mul3A_387 : vector<16xf32>
    %select_n3A_389 = arith.select %gt3A_385, %mul3A_388, %bitcast3A_382 : vector<16xi1>, vector<16xf32>
    %add3A_390 = arith.constant 1 : i32
    %add3A_391 = vector.broadcast %add3A_390 : i32 to vector<16xi32>
    %add3A_392 = arith.addi %sub3A_375, %add3A_391 : vector<16xi32>
    %select_n3A_393 = arith.select %gt3A_385, %add3A_392, %sub3A_375 : vector<16xi1>, vector<16xi32>
    %sub3A_394 = arith.constant 1.000000e+00 : f32
    %sub3A_395 = vector.broadcast %sub3A_394 : f32 to vector<16xf32>
    %sub3A_396 = arith.subf %select_n3A_389, %sub3A_395 : vector<16xf32>
    %add3A_397 = arith.constant 1.000000e+00 : f32
    %add3A_398 = vector.broadcast %add3A_397 : f32 to vector<16xf32>
    %add3A_399 = arith.addf %select_n3A_389, %add3A_398 : vector<16xf32>
    %div3A_400 = arith.divf %sub3A_396, %add3A_399 : vector<16xf32>
    %mul3A_401 = arith.mulf %div3A_400, %div3A_400 : vector<16xf32>
    %broadcast_in_dim3A_402 = arith.constant 0.142857149 : f32
    %broadcast_in_dim3A_403 = vector.broadcast %broadcast_in_dim3A_402 : f32 to vector<16xf32>
    %mul3A_404 = arith.mulf %broadcast_in_dim3A_403, %mul3A_401 : vector<16xf32>
    %add3A_405 = arith.constant 2.000000e-01 : f32
    %add3A_406 = vector.broadcast %add3A_405 : f32 to vector<16xf32>
    %add3A_407 = arith.addf %mul3A_404, %add3A_406 : vector<16xf32>
    %mul3A_408 = arith.mulf %add3A_407, %mul3A_401 : vector<16xf32>
    %add3A_409 = arith.constant 0.333333343 : f32
    %add3A_410 = vector.broadcast %add3A_409 : f32 to vector<16xf32>
    %add3A_411 = arith.addf %mul3A_408, %add3A_410 : vector<16xf32>
    %mul3A_412 = arith.mulf %add3A_411, %mul3A_401 : vector<16xf32>
    %add3A_413 = arith.constant 1.000000e+00 : f32
    %add3A_414 = vector.broadcast %add3A_413 : f32 to vector<16xf32>
    %add3A_415 = arith.addf %mul3A_412, %add3A_414 : vector<16xf32>
    %convert_element_type3A_416 = arith.sitofp %select_n3A_393 : vector<16xi32> to vector<16xf32>
    %mul3A_417 = arith.constant 0.693147182 : f32
    %mul3A_418 = vector.broadcast %mul3A_417 : f32 to vector<16xf32>
    %mul3A_419 = arith.mulf %convert_element_type3A_416, %mul3A_418 : vector<16xf32>
    %mul3A_420 = arith.constant 2.000000e+00 : f32
    %mul3A_421 = vector.broadcast %mul3A_420 : f32 to vector<16xf32>
    %mul3A_422 = arith.mulf %mul3A_421, %div3A_400 : vector<16xf32>
    %mul3A_423 = arith.mulf %mul3A_422, %add3A_415 : vector<16xf32>
    %add3A_424 = arith.addf %mul3A_419, %mul3A_423 : vector<16xf32>
    %get3A_425 = arith.constant 16 : index
    %get3A_426 = tpu.vector_load %arg7[%get3A_425] {strides = array<i32>} : memref<256xf32, #tpu.memory_space<vmem>>, vector<16xf32>,
    %get3A_427 = arith.constant 16 : index
    %get3A_428 = tpu.vector_load %arg6[%get3A_427] {strides = array<i32>} : memref<256xf32, #tpu.memory_space<vmem>>, vector<16xf32>,
    %sub3A_429 = arith.subf %add3A_424, %get3A_428 : vector<16xf32>
    %mul3A_430 = arith.mulf %get3A_426, %sub3A_429 : vector<16xf32>
    %add3A_431 = arith.addf %add3A_356, %mul3A_430 : vector<16xf32>
    %add3A_432 = arith.addf %add3A_357, %get3A_426 : vector<16xf32>
    %get3A_433 = arith.constant 32 : index
    %get3A_434 = tpu.vector_load %arg8[%get3A_433] {strides = array<i32>} : memref<128xi32, #tpu.memory_space<vmem>>, vector<16xi32>,
    %gather3A_435 = tpu.vector_load_idx %arg16[%get3A_434] : memref<1024xf32, #tpu.memory_space<vmem>>[vector<16xi32>], vector<16xf32>,
    %shift_right_arithmetic3A_436 = arith.constant 6 : i32
    %shift_right_arithmetic3A_437 = vector.broadcast %shift_right_arithmetic3A_436 : i32 to vector<16xi32>
    %shift_right_arithmetic3A_438 = arith.shrsi %get3A_434, %shift_right_arithmetic3A_437 : vector<16xi32>
    %gather3A_439 = tpu.vector_load_idx %arg18[%shift_right_arithmetic3A_438] : memref<16xf32, #tpu.memory_space<vmem>>[vector<16xi32>], vector<16xf32>,
    %add3A_440 = arith.addf %gather3A_435, %gather3A_439 : vector<16xf32>
    %bitcast3A_441 = vector.bitcast %add3A_440 : vector<16xf32> to vector<16xi32>
    %shift_right_arithmetic3A_442 = arith.constant 23 : i32
    %shift_right_arithmetic3A_443 = vector.broadcast %shift_right_arithmetic3A_442 : i32 to vector<16xi32>
    %shift_right_arithmetic3A_444 = arith.shrsi %bitcast3A_441, %shift_right_arithmetic3A_443 : vector<16xi32>
    %and3A_445 = arith.constant 255 : i32
    %and3A_446 = vector.broadcast %and3A_445 : i32 to vector<16xi32>
    %and3A_447 = arith.andi %shift_right_arithmetic3A_444, %and3A_446 : vector<16xi32>
    %sub3A_448 = arith.constant 127 : i32
    %sub3A_449 = vector.broadcast %sub3A_448 : i32 to vector<16xi32>
    %sub3A_450 = arith.subi %and3A_447, %sub3A_449 : vector<16xi32>
    %and3A_451 = arith.constant 8388607 : i32
    %and3A_452 = vector.broadcast %and3A_451 : i32 to vector<16xi32>
    %and3A_453 = arith.andi %bitcast3A_441, %and3A_452 : vector<16xi32>
    %or3A_454 = arith.constant 1065353216 : i32
    %or3A_455 = vector.broadcast %or3A_454 : i32 to vector<16xi32>
    %or3A_456 = arith.ori %and3A_453, %or3A_455 : vector<16xi32>
    %bitcast3A_457 = vector.bitcast %or3A_456 : vector<16xi32> to vector<16xf32>
    %gt3A_458 = arith.constant 1.500000e+00 : f32
    %gt3A_459 = vector.broadcast %gt3A_458 : f32 to vector<16xf32>
    %gt3A_460 = arith.cmpf ogt, %bitcast3A_457, %gt3A_459 : vector<16xf32>
    %mul3A_461 = arith.constant 5.000000e-01 : f32
    %mul3A_462 = vector.broadcast %mul3A_461 : f32 to vector<16xf32>
    %mul3A_463 = arith.mulf %bitcast3A_457, %mul3A_462 : vector<16xf32>
    %select_n3A_464 = arith.select %gt3A_460, %mul3A_463, %bitcast3A_457 : vector<16xi1>, vector<16xf32>
    %add3A_465 = arith.constant 1 : i32
    %add3A_466 = vector.broadcast %add3A_465 : i32 to vector<16xi32>
    %add3A_467 = arith.addi %sub3A_450, %add3A_466 : vector<16xi32>
    %select_n3A_468 = arith.select %gt3A_460, %add3A_467, %sub3A_450 : vector<16xi1>, vector<16xi32>
    %sub3A_469 = arith.constant 1.000000e+00 : f32
    %sub3A_470 = vector.broadcast %sub3A_469 : f32 to vector<16xf32>
    %sub3A_471 = arith.subf %select_n3A_464, %sub3A_470 : vector<16xf32>
    %add3A_472 = arith.constant 1.000000e+00 : f32
    %add3A_473 = vector.broadcast %add3A_472 : f32 to vector<16xf32>
    %add3A_474 = arith.addf %select_n3A_464, %add3A_473 : vector<16xf32>
    %div3A_475 = arith.divf %sub3A_471, %add3A_474 : vector<16xf32>
    %mul3A_476 = arith.mulf %div3A_475, %div3A_475 : vector<16xf32>
    %broadcast_in_dim3A_477 = arith.constant 0.142857149 : f32
    %broadcast_in_dim3A_478 = vector.broadcast %broadcast_in_dim3A_477 : f32 to vector<16xf32>
    %mul3A_479 = arith.mulf %broadcast_in_dim3A_478, %mul3A_476 : vector<16xf32>
    %add3A_480 = arith.constant 2.000000e-01 : f32
    %add3A_481 = vector.broadcast %add3A_480 : f32 to vector<16xf32>
    %add3A_482 = arith.addf %mul3A_479, %add3A_481 : vector<16xf32>
    %mul3A_483 = arith.mulf %add3A_482, %mul3A_476 : vector<16xf32>
    %add3A_484 = arith.constant 0.333333343 : f32
    %add3A_485 = vector.broadcast %add3A_484 : f32 to vector<16xf32>
    %add3A_486 = arith.addf %mul3A_483, %add3A_485 : vector<16xf32>
    %mul3A_487 = arith.mulf %add3A_486, %mul3A_476 : vector<16xf32>
    %add3A_488 = arith.constant 1.000000e+00 : f32
    %add3A_489 = vector.broadcast %add3A_488 : f32 to vector<16xf32>
    %add3A_490 = arith.addf %mul3A_487, %add3A_489 : vector<16xf32>
    %convert_element_type3A_491 = arith.sitofp %select_n3A_468 : vector<16xi32> to vector<16xf32>
    %mul3A_492 = arith.constant 0.693147182 : f32
    %mul3A_493 = vector.broadcast %mul3A_492 : f32 to vector<16xf32>
    %mul3A_494 = arith.mulf %convert_element_type3A_491, %mul3A_493 : vector<16xf32>
    %mul3A_495 = arith.constant 2.000000e+00 : f32
    %mul3A_496 = vector.broadcast %mul3A_495 : f32 to vector<16xf32>
    %mul3A_497 = arith.mulf %mul3A_496, %div3A_475 : vector<16xf32>
    %mul3A_498 = arith.mulf %mul3A_497, %add3A_490 : vector<16xf32>
    %add3A_499 = arith.addf %mul3A_494, %mul3A_498 : vector<16xf32>
    %get3A_500 = arith.constant 32 : index
    %get3A_501 = tpu.vector_load %arg7[%get3A_500] {strides = array<i32>} : memref<256xf32, #tpu.memory_space<vmem>>, vector<16xf32>,
    %get3A_502 = arith.constant 32 : index
    %get3A_503 = tpu.vector_load %arg6[%get3A_502] {strides = array<i32>} : memref<256xf32, #tpu.memory_space<vmem>>, vector<16xf32>,
    %sub3A_504 = arith.subf %add3A_499, %get3A_503 : vector<16xf32>
    %mul3A_505 = arith.mulf %get3A_501, %sub3A_504 : vector<16xf32>
    %add3A_506 = arith.addf %add3A_431, %mul3A_505 : vector<16xf32>
    %add3A_507 = arith.addf %add3A_432, %get3A_501 : vector<16xf32>
    %get3A_508 = arith.constant 48 : index
    %get3A_509 = tpu.vector_load %arg8[%get3A_508] {strides = array<i32>} : memref<128xi32, #tpu.memory_space<vmem>>, vector<16xi32>,
    %gather3A_510 = tpu.vector_load_idx %arg16[%get3A_509] : memref<1024xf32, #tpu.memory_space<vmem>>[vector<16xi32>], vector<16xf32>,
    %shift_right_arithmetic3A_511 = arith.constant 6 : i32
    %shift_right_arithmetic3A_512 = vector.broadcast %shift_right_arithmetic3A_511 : i32 to vector<16xi32>
    %shift_right_arithmetic3A_513 = arith.shrsi %get3A_509, %shift_right_arithmetic3A_512 : vector<16xi32>
    %gather3A_514 = tpu.vector_load_idx %arg18[%shift_right_arithmetic3A_513] : memref<16xf32, #tpu.memory_space<vmem>>[vector<16xi32>], vector<16xf32>,
    %add3A_515 = arith.addf %gather3A_510, %gather3A_514 : vector<16xf32>
    %bitcast3A_516 = vector.bitcast %add3A_515 : vector<16xf32> to vector<16xi32>
    %shift_right_arithmetic3A_517 = arith.constant 23 : i32
    %shift_right_arithmetic3A_518 = vector.broadcast %shift_right_arithmetic3A_517 : i32 to vector<16xi32>
    %shift_right_arithmetic3A_519 = arith.shrsi %bitcast3A_516, %shift_right_arithmetic3A_518 : vector<16xi32>
    %and3A_520 = arith.constant 255 : i32
    %and3A_521 = vector.broadcast %and3A_520 : i32 to vector<16xi32>
    %and3A_522 = arith.andi %shift_right_arithmetic3A_519, %and3A_521 : vector<16xi32>
    %sub3A_523 = arith.constant 127 : i32
    %sub3A_524 = vector.broadcast %sub3A_523 : i32 to vector<16xi32>
    %sub3A_525 = arith.subi %and3A_522, %sub3A_524 : vector<16xi32>
    %and3A_526 = arith.constant 8388607 : i32
    %and3A_527 = vector.broadcast %and3A_526 : i32 to vector<16xi32>
    %and3A_528 = arith.andi %bitcast3A_516, %and3A_527 : vector<16xi32>
    %or3A_529 = arith.constant 1065353216 : i32
    %or3A_530 = vector.broadcast %or3A_529 : i32 to vector<16xi32>
    %or3A_531 = arith.ori %and3A_528, %or3A_530 : vector<16xi32>
    %bitcast3A_532 = vector.bitcast %or3A_531 : vector<16xi32> to vector<16xf32>
    %gt3A_533 = arith.constant 1.500000e+00 : f32
    %gt3A_534 = vector.broadcast %gt3A_533 : f32 to vector<16xf32>
    %gt3A_535 = arith.cmpf ogt, %bitcast3A_532, %gt3A_534 : vector<16xf32>
    %mul3A_536 = arith.constant 5.000000e-01 : f32
    %mul3A_537 = vector.broadcast %mul3A_536 : f32 to vector<16xf32>
    %mul3A_538 = arith.mulf %bitcast3A_532, %mul3A_537 : vector<16xf32>
    %select_n3A_539 = arith.select %gt3A_535, %mul3A_538, %bitcast3A_532 : vector<16xi1>, vector<16xf32>
    %add3A_540 = arith.constant 1 : i32
    %add3A_541 = vector.broadcast %add3A_540 : i32 to vector<16xi32>
    %add3A_542 = arith.addi %sub3A_525, %add3A_541 : vector<16xi32>
    %select_n3A_543 = arith.select %gt3A_535, %add3A_542, %sub3A_525 : vector<16xi1>, vector<16xi32>
    %sub3A_544 = arith.constant 1.000000e+00 : f32
    %sub3A_545 = vector.broadcast %sub3A_544 : f32 to vector<16xf32>
    %sub3A_546 = arith.subf %select_n3A_539, %sub3A_545 : vector<16xf32>
    %add3A_547 = arith.constant 1.000000e+00 : f32
    %add3A_548 = vector.broadcast %add3A_547 : f32 to vector<16xf32>
    %add3A_549 = arith.addf %select_n3A_539, %add3A_548 : vector<16xf32>
    %div3A_550 = arith.divf %sub3A_546, %add3A_549 : vector<16xf32>
    %mul3A_551 = arith.mulf %div3A_550, %div3A_550 : vector<16xf32>
    %broadcast_in_dim3A_552 = arith.constant 0.142857149 : f32
    %broadcast_in_dim3A_553 = vector.broadcast %broadcast_in_dim3A_552 : f32 to vector<16xf32>
    %mul3A_554 = arith.mulf %broadcast_in_dim3A_553, %mul3A_551 : vector<16xf32>
    %add3A_555 = arith.constant 2.000000e-01 : f32
    %add3A_556 = vector.broadcast %add3A_555 : f32 to vector<16xf32>
    %add3A_557 = arith.addf %mul3A_554, %add3A_556 : vector<16xf32>
    %mul3A_558 = arith.mulf %add3A_557, %mul3A_551 : vector<16xf32>
    %add3A_559 = arith.constant 0.333333343 : f32
    %add3A_560 = vector.broadcast %add3A_559 : f32 to vector<16xf32>
    %add3A_561 = arith.addf %mul3A_558, %add3A_560 : vector<16xf32>
    %mul3A_562 = arith.mulf %add3A_561, %mul3A_551 : vector<16xf32>
    %add3A_563 = arith.constant 1.000000e+00 : f32
    %add3A_564 = vector.broadcast %add3A_563 : f32 to vector<16xf32>
    %add3A_565 = arith.addf %mul3A_562, %add3A_564 : vector<16xf32>
    %convert_element_type3A_566 = arith.sitofp %select_n3A_543 : vector<16xi32> to vector<16xf32>
    %mul3A_567 = arith.constant 0.693147182 : f32
    %mul3A_568 = vector.broadcast %mul3A_567 : f32 to vector<16xf32>
    %mul3A_569 = arith.mulf %convert_element_type3A_566, %mul3A_568 : vector<16xf32>
    %mul3A_570 = arith.constant 2.000000e+00 : f32
    %mul3A_571 = vector.broadcast %mul3A_570 : f32 to vector<16xf32>
    %mul3A_572 = arith.mulf %mul3A_571, %div3A_550 : vector<16xf32>
    %mul3A_573 = arith.mulf %mul3A_572, %add3A_565 : vector<16xf32>
    %add3A_574 = arith.addf %mul3A_569, %mul3A_573 : vector<16xf32>
    %get3A_575 = arith.constant 48 : index
    %get3A_576 = tpu.vector_load %arg7[%get3A_575] {strides = array<i32>} : memref<256xf32, #tpu.memory_space<vmem>>, vector<16xf32>,
    %get3A_577 = arith.constant 48 : index
    %get3A_578 = tpu.vector_load %arg6[%get3A_577] {strides = array<i32>} : memref<256xf32, #tpu.memory_space<vmem>>, vector<16xf32>,
    %sub3A_579 = arith.subf %add3A_574, %get3A_578 : vector<16xf32>
    %mul3A_580 = arith.mulf %get3A_576, %sub3A_579 : vector<16xf32>
    %add3A_581 = arith.addf %add3A_506, %mul3A_580 : vector<16xf32>
    %add3A_582 = arith.addf %add3A_507, %get3A_576 : vector<16xf32>
    %get3A_583 = arith.constant 64 : index
    %get3A_584 = tpu.vector_load %arg8[%get3A_583] {strides = array<i32>} : memref<128xi32, #tpu.memory_space<vmem>>, vector<16xi32>,
    %gather3A_585 = tpu.vector_load_idx %arg16[%get3A_584] : memref<1024xf32, #tpu.memory_space<vmem>>[vector<16xi32>], vector<16xf32>,
    %shift_right_arithmetic3A_586 = arith.constant 6 : i32
    %shift_right_arithmetic3A_587 = vector.broadcast %shift_right_arithmetic3A_586 : i32 to vector<16xi32>
    %shift_right_arithmetic3A_588 = arith.shrsi %get3A_584, %shift_right_arithmetic3A_587 : vector<16xi32>
    %gather3A_589 = tpu.vector_load_idx %arg18[%shift_right_arithmetic3A_588] : memref<16xf32, #tpu.memory_space<vmem>>[vector<16xi32>], vector<16xf32>,
    %add3A_590 = arith.addf %gather3A_585, %gather3A_589 : vector<16xf32>
    %bitcast3A_591 = vector.bitcast %add3A_590 : vector<16xf32> to vector<16xi32>
    %shift_right_arithmetic3A_592 = arith.constant 23 : i32
    %shift_right_arithmetic3A_593 = vector.broadcast %shift_right_arithmetic3A_592 : i32 to vector<16xi32>
    %shift_right_arithmetic3A_594 = arith.shrsi %bitcast3A_591, %shift_right_arithmetic3A_593 : vector<16xi32>
    %and3A_595 = arith.constant 255 : i32
    %and3A_596 = vector.broadcast %and3A_595 : i32 to vector<16xi32>
    %and3A_597 = arith.andi %shift_right_arithmetic3A_594, %and3A_596 : vector<16xi32>
    %sub3A_598 = arith.constant 127 : i32
    %sub3A_599 = vector.broadcast %sub3A_598 : i32 to vector<16xi32>
    %sub3A_600 = arith.subi %and3A_597, %sub3A_599 : vector<16xi32>
    %and3A_601 = arith.constant 8388607 : i32
    %and3A_602 = vector.broadcast %and3A_601 : i32 to vector<16xi32>
    %and3A_603 = arith.andi %bitcast3A_591, %and3A_602 : vector<16xi32>
    %or3A_604 = arith.constant 1065353216 : i32
    %or3A_605 = vector.broadcast %or3A_604 : i32 to vector<16xi32>
    %or3A_606 = arith.ori %and3A_603, %or3A_605 : vector<16xi32>
    %bitcast3A_607 = vector.bitcast %or3A_606 : vector<16xi32> to vector<16xf32>
    %gt3A_608 = arith.constant 1.500000e+00 : f32
    %gt3A_609 = vector.broadcast %gt3A_608 : f32 to vector<16xf32>
    %gt3A_610 = arith.cmpf ogt, %bitcast3A_607, %gt3A_609 : vector<16xf32>
    %mul3A_611 = arith.constant 5.000000e-01 : f32
    %mul3A_612 = vector.broadcast %mul3A_611 : f32 to vector<16xf32>
    %mul3A_613 = arith.mulf %bitcast3A_607, %mul3A_612 : vector<16xf32>
    %select_n3A_614 = arith.select %gt3A_610, %mul3A_613, %bitcast3A_607 : vector<16xi1>, vector<16xf32>
    %add3A_615 = arith.constant 1 : i32
    %add3A_616 = vector.broadcast %add3A_615 : i32 to vector<16xi32>
    %add3A_617 = arith.addi %sub3A_600, %add3A_616 : vector<16xi32>
    %select_n3A_618 = arith.select %gt3A_610, %add3A_617, %sub3A_600 : vector<16xi1>, vector<16xi32>
    %sub3A_619 = arith.constant 1.000000e+00 : f32
    %sub3A_620 = vector.broadcast %sub3A_619 : f32 to vector<16xf32>
    %sub3A_621 = arith.subf %select_n3A_614, %sub3A_620 : vector<16xf32>
    %add3A_622 = arith.constant 1.000000e+00 : f32
    %add3A_623 = vector.broadcast %add3A_622 : f32 to vector<16xf32>
    %add3A_624 = arith.addf %select_n3A_614, %add3A_623 : vector<16xf32>
    %div3A_625 = arith.divf %sub3A_621, %add3A_624 : vector<16xf32>
    %mul3A_626 = arith.mulf %div3A_625, %div3A_625 : vector<16xf32>
    %broadcast_in_dim3A_627 = arith.constant 0.142857149 : f32
    %broadcast_in_dim3A_628 = vector.broadcast %broadcast_in_dim3A_627 : f32 to vector<16xf32>
    %mul3A_629 = arith.mulf %broadcast_in_dim3A_628, %mul3A_626 : vector<16xf32>
    %add3A_630 = arith.constant 2.000000e-01 : f32
    %add3A_631 = vector.broadcast %add3A_630 : f32 to vector<16xf32>
    %add3A_632 = arith.addf %mul3A_629, %add3A_631 : vector<16xf32>
    %mul3A_633 = arith.mulf %add3A_632, %mul3A_626 : vector<16xf32>
    %add3A_634 = arith.constant 0.333333343 : f32
    %add3A_635 = vector.broadcast %add3A_634 : f32 to vector<16xf32>
    %add3A_636 = arith.addf %mul3A_633, %add3A_635 : vector<16xf32>
    %mul3A_637 = arith.mulf %add3A_636, %mul3A_626 : vector<16xf32>
    %add3A_638 = arith.constant 1.000000e+00 : f32
    %add3A_639 = vector.broadcast %add3A_638 : f32 to vector<16xf32>
    %add3A_640 = arith.addf %mul3A_637, %add3A_639 : vector<16xf32>
    %convert_element_type3A_641 = arith.sitofp %select_n3A_618 : vector<16xi32> to vector<16xf32>
    %mul3A_642 = arith.constant 0.693147182 : f32
    %mul3A_643 = vector.broadcast %mul3A_642 : f32 to vector<16xf32>
    %mul3A_644 = arith.mulf %convert_element_type3A_641, %mul3A_643 : vector<16xf32>
    %mul3A_645 = arith.constant 2.000000e+00 : f32
    %mul3A_646 = vector.broadcast %mul3A_645 : f32 to vector<16xf32>
    %mul3A_647 = arith.mulf %mul3A_646, %div3A_625 : vector<16xf32>
    %mul3A_648 = arith.mulf %mul3A_647, %add3A_640 : vector<16xf32>
    %add3A_649 = arith.addf %mul3A_644, %mul3A_648 : vector<16xf32>
    %get3A_650 = arith.constant 64 : index
    %get3A_651 = tpu.vector_load %arg7[%get3A_650] {strides = array<i32>} : memref<256xf32, #tpu.memory_space<vmem>>, vector<16xf32>,
    %get3A_652 = arith.constant 64 : index
    %get3A_653 = tpu.vector_load %arg6[%get3A_652] {strides = array<i32>} : memref<256xf32, #tpu.memory_space<vmem>>, vector<16xf32>,
    %sub3A_654 = arith.subf %add3A_649, %get3A_653 : vector<16xf32>
    %mul3A_655 = arith.mulf %get3A_651, %sub3A_654 : vector<16xf32>
    %add3A_656 = arith.addf %add3A_581, %mul3A_655 : vector<16xf32>
    %add3A_657 = arith.addf %add3A_582, %get3A_651 : vector<16xf32>
    %get3A_658 = arith.constant 80 : index
    %get3A_659 = tpu.vector_load %arg8[%get3A_658] {strides = array<i32>} : memref<128xi32, #tpu.memory_space<vmem>>, vector<16xi32>,
    %gather3A_660 = tpu.vector_load_idx %arg16[%get3A_659] : memref<1024xf32, #tpu.memory_space<vmem>>[vector<16xi32>], vector<16xf32>,
    %shift_right_arithmetic3A_661 = arith.constant 6 : i32
    %shift_right_arithmetic3A_662 = vector.broadcast %shift_right_arithmetic3A_661 : i32 to vector<16xi32>
    %shift_right_arithmetic3A_663 = arith.shrsi %get3A_659, %shift_right_arithmetic3A_662 : vector<16xi32>
    %gather3A_664 = tpu.vector_load_idx %arg18[%shift_right_arithmetic3A_663] : memref<16xf32, #tpu.memory_space<vmem>>[vector<16xi32>], vector<16xf32>,
    %add3A_665 = arith.addf %gather3A_660, %gather3A_664 : vector<16xf32>
    %bitcast3A_666 = vector.bitcast %add3A_665 : vector<16xf32> to vector<16xi32>
    %shift_right_arithmetic3A_667 = arith.constant 23 : i32
    %shift_right_arithmetic3A_668 = vector.broadcast %shift_right_arithmetic3A_667 : i32 to vector<16xi32>
    %shift_right_arithmetic3A_669 = arith.shrsi %bitcast3A_666, %shift_right_arithmetic3A_668 : vector<16xi32>
    %and3A_670 = arith.constant 255 : i32
    %and3A_671 = vector.broadcast %and3A_670 : i32 to vector<16xi32>
    %and3A_672 = arith.andi %shift_right_arithmetic3A_669, %and3A_671 : vector<16xi32>
    %sub3A_673 = arith.constant 127 : i32
    %sub3A_674 = vector.broadcast %sub3A_673 : i32 to vector<16xi32>
    %sub3A_675 = arith.subi %and3A_672, %sub3A_674 : vector<16xi32>
    %and3A_676 = arith.constant 8388607 : i32
    %and3A_677 = vector.broadcast %and3A_676 : i32 to vector<16xi32>
    %and3A_678 = arith.andi %bitcast3A_666, %and3A_677 : vector<16xi32>
    %or3A_679 = arith.constant 1065353216 : i32
    %or3A_680 = vector.broadcast %or3A_679 : i32 to vector<16xi32>
    %or3A_681 = arith.ori %and3A_678, %or3A_680 : vector<16xi32>
    %bitcast3A_682 = vector.bitcast %or3A_681 : vector<16xi32> to vector<16xf32>
    %gt3A_683 = arith.constant 1.500000e+00 : f32
    %gt3A_684 = vector.broadcast %gt3A_683 : f32 to vector<16xf32>
    %gt3A_685 = arith.cmpf ogt, %bitcast3A_682, %gt3A_684 : vector<16xf32>
    %mul3A_686 = arith.constant 5.000000e-01 : f32
    %mul3A_687 = vector.broadcast %mul3A_686 : f32 to vector<16xf32>
    %mul3A_688 = arith.mulf %bitcast3A_682, %mul3A_687 : vector<16xf32>
    %select_n3A_689 = arith.select %gt3A_685, %mul3A_688, %bitcast3A_682 : vector<16xi1>, vector<16xf32>
    %add3A_690 = arith.constant 1 : i32
    %add3A_691 = vector.broadcast %add3A_690 : i32 to vector<16xi32>
    %add3A_692 = arith.addi %sub3A_675, %add3A_691 : vector<16xi32>
    %select_n3A_693 = arith.select %gt3A_685, %add3A_692, %sub3A_675 : vector<16xi1>, vector<16xi32>
    %sub3A_694 = arith.constant 1.000000e+00 : f32
    %sub3A_695 = vector.broadcast %sub3A_694 : f32 to vector<16xf32>
    %sub3A_696 = arith.subf %select_n3A_689, %sub3A_695 : vector<16xf32>
    %add3A_697 = arith.constant 1.000000e+00 : f32
    %add3A_698 = vector.broadcast %add3A_697 : f32 to vector<16xf32>
    %add3A_699 = arith.addf %select_n3A_689, %add3A_698 : vector<16xf32>
    %div3A_700 = arith.divf %sub3A_696, %add3A_699 : vector<16xf32>
    %mul3A_701 = arith.mulf %div3A_700, %div3A_700 : vector<16xf32>
    %broadcast_in_dim3A_702 = arith.constant 0.142857149 : f32
    %broadcast_in_dim3A_703 = vector.broadcast %broadcast_in_dim3A_702 : f32 to vector<16xf32>
    %mul3A_704 = arith.mulf %broadcast_in_dim3A_703, %mul3A_701 : vector<16xf32>
    %add3A_705 = arith.constant 2.000000e-01 : f32
    %add3A_706 = vector.broadcast %add3A_705 : f32 to vector<16xf32>
    %add3A_707 = arith.addf %mul3A_704, %add3A_706 : vector<16xf32>
    %mul3A_708 = arith.mulf %add3A_707, %mul3A_701 : vector<16xf32>
    %add3A_709 = arith.constant 0.333333343 : f32
    %add3A_710 = vector.broadcast %add3A_709 : f32 to vector<16xf32>
    %add3A_711 = arith.addf %mul3A_708, %add3A_710 : vector<16xf32>
    %mul3A_712 = arith.mulf %add3A_711, %mul3A_701 : vector<16xf32>
    %add3A_713 = arith.constant 1.000000e+00 : f32
    %add3A_714 = vector.broadcast %add3A_713 : f32 to vector<16xf32>
    %add3A_715 = arith.addf %mul3A_712, %add3A_714 : vector<16xf32>
    %convert_element_type3A_716 = arith.sitofp %select_n3A_693 : vector<16xi32> to vector<16xf32>
    %mul3A_717 = arith.constant 0.693147182 : f32
    %mul3A_718 = vector.broadcast %mul3A_717 : f32 to vector<16xf32>
    %mul3A_719 = arith.mulf %convert_element_type3A_716, %mul3A_718 : vector<16xf32>
    %mul3A_720 = arith.constant 2.000000e+00 : f32
    %mul3A_721 = vector.broadcast %mul3A_720 : f32 to vector<16xf32>
    %mul3A_722 = arith.mulf %mul3A_721, %div3A_700 : vector<16xf32>
    %mul3A_723 = arith.mulf %mul3A_722, %add3A_715 : vector<16xf32>
    %add3A_724 = arith.addf %mul3A_719, %mul3A_723 : vector<16xf32>
    %get3A_725 = arith.constant 80 : index
    %get3A_726 = tpu.vector_load %arg7[%get3A_725] {strides = array<i32>} : memref<256xf32, #tpu.memory_space<vmem>>, vector<16xf32>,
    %get3A_727 = arith.constant 80 : index
    %get3A_728 = tpu.vector_load %arg6[%get3A_727] {strides = array<i32>} : memref<256xf32, #tpu.memory_space<vmem>>, vector<16xf32>,
    %sub3A_729 = arith.subf %add3A_724, %get3A_728 : vector<16xf32>
    %mul3A_730 = arith.mulf %get3A_726, %sub3A_729 : vector<16xf32>
    %add3A_731 = arith.addf %add3A_656, %mul3A_730 : vector<16xf32>
    %add3A_732 = arith.addf %add3A_657, %get3A_726 : vector<16xf32>
    %get3A_733 = arith.constant 96 : index
    %get3A_734 = tpu.vector_load %arg8[%get3A_733] {strides = array<i32>} : memref<128xi32, #tpu.memory_space<vmem>>, vector<16xi32>,
    %gather3A_735 = tpu.vector_load_idx %arg16[%get3A_734] : memref<1024xf32, #tpu.memory_space<vmem>>[vector<16xi32>], vector<16xf32>,
    %shift_right_arithmetic3A_736 = arith.constant 6 : i32
    %shift_right_arithmetic3A_737 = vector.broadcast %shift_right_arithmetic3A_736 : i32 to vector<16xi32>
    %shift_right_arithmetic3A_738 = arith.shrsi %get3A_734, %shift_right_arithmetic3A_737 : vector<16xi32>
    %gather3A_739 = tpu.vector_load_idx %arg18[%shift_right_arithmetic3A_738] : memref<16xf32, #tpu.memory_space<vmem>>[vector<16xi32>], vector<16xf32>,
    %add3A_740 = arith.addf %gather3A_735, %gather3A_739 : vector<16xf32>
    %bitcast3A_741 = vector.bitcast %add3A_740 : vector<16xf32> to vector<16xi32>
    %shift_right_arithmetic3A_742 = arith.constant 23 : i32
    %shift_right_arithmetic3A_743 = vector.broadcast %shift_right_arithmetic3A_742 : i32 to vector<16xi32>
    %shift_right_arithmetic3A_744 = arith.shrsi %bitcast3A_741, %shift_right_arithmetic3A_743 : vector<16xi32>
    %and3A_745 = arith.constant 255 : i32
    %and3A_746 = vector.broadcast %and3A_745 : i32 to vector<16xi32>
    %and3A_747 = arith.andi %shift_right_arithmetic3A_744, %and3A_746 : vector<16xi32>
    %sub3A_748 = arith.constant 127 : i32
    %sub3A_749 = vector.broadcast %sub3A_748 : i32 to vector<16xi32>
    %sub3A_750 = arith.subi %and3A_747, %sub3A_749 : vector<16xi32>
    %and3A_751 = arith.constant 8388607 : i32
    %and3A_752 = vector.broadcast %and3A_751 : i32 to vector<16xi32>
    %and3A_753 = arith.andi %bitcast3A_741, %and3A_752 : vector<16xi32>
    %or3A_754 = arith.constant 1065353216 : i32
    %or3A_755 = vector.broadcast %or3A_754 : i32 to vector<16xi32>
    %or3A_756 = arith.ori %and3A_753, %or3A_755 : vector<16xi32>
    %bitcast3A_757 = vector.bitcast %or3A_756 : vector<16xi32> to vector<16xf32>
    %gt3A_758 = arith.constant 1.500000e+00 : f32
    %gt3A_759 = vector.broadcast %gt3A_758 : f32 to vector<16xf32>
    %gt3A_760 = arith.cmpf ogt, %bitcast3A_757, %gt3A_759 : vector<16xf32>
    %mul3A_761 = arith.constant 5.000000e-01 : f32
    %mul3A_762 = vector.broadcast %mul3A_761 : f32 to vector<16xf32>
    %mul3A_763 = arith.mulf %bitcast3A_757, %mul3A_762 : vector<16xf32>
    %select_n3A_764 = arith.select %gt3A_760, %mul3A_763, %bitcast3A_757 : vector<16xi1>, vector<16xf32>
    %add3A_765 = arith.constant 1 : i32
    %add3A_766 = vector.broadcast %add3A_765 : i32 to vector<16xi32>
    %add3A_767 = arith.addi %sub3A_750, %add3A_766 : vector<16xi32>
    %select_n3A_768 = arith.select %gt3A_760, %add3A_767, %sub3A_750 : vector<16xi1>, vector<16xi32>
    %sub3A_769 = arith.constant 1.000000e+00 : f32
    %sub3A_770 = vector.broadcast %sub3A_769 : f32 to vector<16xf32>
    %sub3A_771 = arith.subf %select_n3A_764, %sub3A_770 : vector<16xf32>
    %add3A_772 = arith.constant 1.000000e+00 : f32
    %add3A_773 = vector.broadcast %add3A_772 : f32 to vector<16xf32>
    %add3A_774 = arith.addf %select_n3A_764, %add3A_773 : vector<16xf32>
    %div3A_775 = arith.divf %sub3A_771, %add3A_774 : vector<16xf32>
    %mul3A_776 = arith.mulf %div3A_775, %div3A_775 : vector<16xf32>
    %broadcast_in_dim3A_777 = arith.constant 0.142857149 : f32
    %broadcast_in_dim3A_778 = vector.broadcast %broadcast_in_dim3A_777 : f32 to vector<16xf32>
    %mul3A_779 = arith.mulf %broadcast_in_dim3A_778, %mul3A_776 : vector<16xf32>
    %add3A_780 = arith.constant 2.000000e-01 : f32
    %add3A_781 = vector.broadcast %add3A_780 : f32 to vector<16xf32>
    %add3A_782 = arith.addf %mul3A_779, %add3A_781 : vector<16xf32>
    %mul3A_783 = arith.mulf %add3A_782, %mul3A_776 : vector<16xf32>
    %add3A_784 = arith.constant 0.333333343 : f32
    %add3A_785 = vector.broadcast %add3A_784 : f32 to vector<16xf32>
    %add3A_786 = arith.addf %mul3A_783, %add3A_785 : vector<16xf32>
    %mul3A_787 = arith.mulf %add3A_786, %mul3A_776 : vector<16xf32>
    %add3A_788 = arith.constant 1.000000e+00 : f32
    %add3A_789 = vector.broadcast %add3A_788 : f32 to vector<16xf32>
    %add3A_790 = arith.addf %mul3A_787, %add3A_789 : vector<16xf32>
    %convert_element_type3A_791 = arith.sitofp %select_n3A_768 : vector<16xi32> to vector<16xf32>
    %mul3A_792 = arith.constant 0.693147182 : f32
    %mul3A_793 = vector.broadcast %mul3A_792 : f32 to vector<16xf32>
    %mul3A_794 = arith.mulf %convert_element_type3A_791, %mul3A_793 : vector<16xf32>
    %mul3A_795 = arith.constant 2.000000e+00 : f32
    %mul3A_796 = vector.broadcast %mul3A_795 : f32 to vector<16xf32>
    %mul3A_797 = arith.mulf %mul3A_796, %div3A_775 : vector<16xf32>
    %mul3A_798 = arith.mulf %mul3A_797, %add3A_790 : vector<16xf32>
    %add3A_799 = arith.addf %mul3A_794, %mul3A_798 : vector<16xf32>
    %get3A_800 = arith.constant 96 : index
    %get3A_801 = tpu.vector_load %arg7[%get3A_800] {strides = array<i32>} : memref<256xf32, #tpu.memory_space<vmem>>, vector<16xf32>,
    %get3A_802 = arith.constant 96 : index
    %get3A_803 = tpu.vector_load %arg6[%get3A_802] {strides = array<i32>} : memref<256xf32, #tpu.memory_space<vmem>>, vector<16xf32>,
    %sub3A_804 = arith.subf %add3A_799, %get3A_803 : vector<16xf32>
    %mul3A_805 = arith.mulf %get3A_801, %sub3A_804 : vector<16xf32>
    %add3A_806 = arith.addf %add3A_731, %mul3A_805 : vector<16xf32>
    %add3A_807 = arith.addf %add3A_732, %get3A_801 : vector<16xf32>
    %get3A_808 = arith.constant 112 : index
    %get3A_809 = tpu.vector_load %arg8[%get3A_808] {strides = array<i32>} : memref<128xi32, #tpu.memory_space<vmem>>, vector<16xi32>,
    %gather3A_810 = tpu.vector_load_idx %arg16[%get3A_809] : memref<1024xf32, #tpu.memory_space<vmem>>[vector<16xi32>], vector<16xf32>,
    %shift_right_arithmetic3A_811 = arith.constant 6 : i32
    %shift_right_arithmetic3A_812 = vector.broadcast %shift_right_arithmetic3A_811 : i32 to vector<16xi32>
    %shift_right_arithmetic3A_813 = arith.shrsi %get3A_809, %shift_right_arithmetic3A_812 : vector<16xi32>
    %gather3A_814 = tpu.vector_load_idx %arg18[%shift_right_arithmetic3A_813] : memref<16xf32, #tpu.memory_space<vmem>>[vector<16xi32>], vector<16xf32>,
    %add3A_815 = arith.addf %gather3A_810, %gather3A_814 : vector<16xf32>
    %bitcast3A_816 = vector.bitcast %add3A_815 : vector<16xf32> to vector<16xi32>
    %shift_right_arithmetic3A_817 = arith.constant 23 : i32
    %shift_right_arithmetic3A_818 = vector.broadcast %shift_right_arithmetic3A_817 : i32 to vector<16xi32>
    %shift_right_arithmetic3A_819 = arith.shrsi %bitcast3A_816, %shift_right_arithmetic3A_818 : vector<16xi32>
    %and3A_820 = arith.constant 255 : i32
    %and3A_821 = vector.broadcast %and3A_820 : i32 to vector<16xi32>
    %and3A_822 = arith.andi %shift_right_arithmetic3A_819, %and3A_821 : vector<16xi32>
    %sub3A_823 = arith.constant 127 : i32
    %sub3A_824 = vector.broadcast %sub3A_823 : i32 to vector<16xi32>
    %sub3A_825 = arith.subi %and3A_822, %sub3A_824 : vector<16xi32>
    %and3A_826 = arith.constant 8388607 : i32
    %and3A_827 = vector.broadcast %and3A_826 : i32 to vector<16xi32>
    %and3A_828 = arith.andi %bitcast3A_816, %and3A_827 : vector<16xi32>
    %or3A_829 = arith.constant 1065353216 : i32
    %or3A_830 = vector.broadcast %or3A_829 : i32 to vector<16xi32>
    %or3A_831 = arith.ori %and3A_828, %or3A_830 : vector<16xi32>
    %bitcast3A_832 = vector.bitcast %or3A_831 : vector<16xi32> to vector<16xf32>
    %gt3A_833 = arith.constant 1.500000e+00 : f32
    %gt3A_834 = vector.broadcast %gt3A_833 : f32 to vector<16xf32>
    %gt3A_835 = arith.cmpf ogt, %bitcast3A_832, %gt3A_834 : vector<16xf32>
    %mul3A_836 = arith.constant 5.000000e-01 : f32
    %mul3A_837 = vector.broadcast %mul3A_836 : f32 to vector<16xf32>
    %mul3A_838 = arith.mulf %bitcast3A_832, %mul3A_837 : vector<16xf32>
    %select_n3A_839 = arith.select %gt3A_835, %mul3A_838, %bitcast3A_832 : vector<16xi1>, vector<16xf32>
    %add3A_840 = arith.constant 1 : i32
    %add3A_841 = vector.broadcast %add3A_840 : i32 to vector<16xi32>
    %add3A_842 = arith.addi %sub3A_825, %add3A_841 : vector<16xi32>
    %select_n3A_843 = arith.select %gt3A_835, %add3A_842, %sub3A_825 : vector<16xi1>, vector<16xi32>
    %sub3A_844 = arith.constant 1.000000e+00 : f32
    %sub3A_845 = vector.broadcast %sub3A_844 : f32 to vector<16xf32>
    %sub3A_846 = arith.subf %select_n3A_839, %sub3A_845 : vector<16xf32>
    %add3A_847 = arith.constant 1.000000e+00 : f32
    %add3A_848 = vector.broadcast %add3A_847 : f32 to vector<16xf32>
    %add3A_849 = arith.addf %select_n3A_839, %add3A_848 : vector<16xf32>
    %div3A_850 = arith.divf %sub3A_846, %add3A_849 : vector<16xf32>
    %mul3A_851 = arith.mulf %div3A_850, %div3A_850 : vector<16xf32>
    %broadcast_in_dim3A_852 = arith.constant 0.142857149 : f32
    %broadcast_in_dim3A_853 = vector.broadcast %broadcast_in_dim3A_852 : f32 to vector<16xf32>
    %mul3A_854 = arith.mulf %broadcast_in_dim3A_853, %mul3A_851 : vector<16xf32>
    %add3A_855 = arith.constant 2.000000e-01 : f32
    %add3A_856 = vector.broadcast %add3A_855 : f32 to vector<16xf32>
    %add3A_857 = arith.addf %mul3A_854, %add3A_856 : vector<16xf32>
    %mul3A_858 = arith.mulf %add3A_857, %mul3A_851 : vector<16xf32>
    %add3A_859 = arith.constant 0.333333343 : f32
    %add3A_860 = vector.broadcast %add3A_859 : f32 to vector<16xf32>
    %add3A_861 = arith.addf %mul3A_858, %add3A_860 : vector<16xf32>
    %mul3A_862 = arith.mulf %add3A_861, %mul3A_851 : vector<16xf32>
    %add3A_863 = arith.constant 1.000000e+00 : f32
    %add3A_864 = vector.broadcast %add3A_863 : f32 to vector<16xf32>
    %add3A_865 = arith.addf %mul3A_862, %add3A_864 : vector<16xf32>
    %convert_element_type3A_866 = arith.sitofp %select_n3A_843 : vector<16xi32> to vector<16xf32>
    %mul3A_867 = arith.constant 0.693147182 : f32
    %mul3A_868 = vector.broadcast %mul3A_867 : f32 to vector<16xf32>
    %mul3A_869 = arith.mulf %convert_element_type3A_866, %mul3A_868 : vector<16xf32>
    %mul3A_870 = arith.constant 2.000000e+00 : f32
    %mul3A_871 = vector.broadcast %mul3A_870 : f32 to vector<16xf32>
    %mul3A_872 = arith.mulf %mul3A_871, %div3A_850 : vector<16xf32>
    %mul3A_873 = arith.mulf %mul3A_872, %add3A_865 : vector<16xf32>
    %add3A_874 = arith.addf %mul3A_869, %mul3A_873 : vector<16xf32>
    %get3A_875 = arith.constant 112 : index
    %get3A_876 = tpu.vector_load %arg7[%get3A_875] {strides = array<i32>} : memref<256xf32, #tpu.memory_space<vmem>>, vector<16xf32>,
    %get3A_877 = arith.constant 112 : index
    %get3A_878 = tpu.vector_load %arg6[%get3A_877] {strides = array<i32>} : memref<256xf32, #tpu.memory_space<vmem>>, vector<16xf32>,
    %sub3A_879 = arith.subf %add3A_874, %get3A_878 : vector<16xf32>
    %mul3A_880 = arith.mulf %get3A_876, %sub3A_879 : vector<16xf32>
    %add3A_881 = arith.addf %add3A_806, %mul3A_880 : vector<16xf32>
    %add3A_882 = arith.addf %add3A_807, %get3A_876 : vector<16xf32>
    %get3A_883 = arith.constant 0 : index
    %get3A_884 = tpu.vector_load %arg9[%get3A_883] {strides = array<i32>} : memref<128xi32, #tpu.memory_space<vmem>>, vector<16xi32>,
    %gather3A_885 = tpu.vector_load_idx %arg16[%get3A_884] : memref<1024xf32, #tpu.memory_space<vmem>>[vector<16xi32>], vector<16xf32>,
    %shift_right_arithmetic3A_886 = arith.constant 6 : i32
    %shift_right_arithmetic3A_887 = vector.broadcast %shift_right_arithmetic3A_886 : i32 to vector<16xi32>
    %shift_right_arithmetic3A_888 = arith.shrsi %get3A_884, %shift_right_arithmetic3A_887 : vector<16xi32>
    %gather3A_889 = tpu.vector_load_idx %arg18[%shift_right_arithmetic3A_888] : memref<16xf32, #tpu.memory_space<vmem>>[vector<16xi32>], vector<16xf32>,
    %add3A_890 = arith.addf %gather3A_885, %gather3A_889 : vector<16xf32>
    %bitcast3A_891 = vector.bitcast %add3A_890 : vector<16xf32> to vector<16xi32>
    %shift_right_arithmetic3A_892 = arith.constant 23 : i32
    %shift_right_arithmetic3A_893 = vector.broadcast %shift_right_arithmetic3A_892 : i32 to vector<16xi32>
    %shift_right_arithmetic3A_894 = arith.shrsi %bitcast3A_891, %shift_right_arithmetic3A_893 : vector<16xi32>
    %and3A_895 = arith.constant 255 : i32
    %and3A_896 = vector.broadcast %and3A_895 : i32 to vector<16xi32>
    %and3A_897 = arith.andi %shift_right_arithmetic3A_894, %and3A_896 : vector<16xi32>
    %sub3A_898 = arith.constant 127 : i32
    %sub3A_899 = vector.broadcast %sub3A_898 : i32 to vector<16xi32>
    %sub3A_900 = arith.subi %and3A_897, %sub3A_899 : vector<16xi32>
    %and3A_901 = arith.constant 8388607 : i32
    %and3A_902 = vector.broadcast %and3A_901 : i32 to vector<16xi32>
    %and3A_903 = arith.andi %bitcast3A_891, %and3A_902 : vector<16xi32>
    %or3A_904 = arith.constant 1065353216 : i32
    %or3A_905 = vector.broadcast %or3A_904 : i32 to vector<16xi32>
    %or3A_906 = arith.ori %and3A_903, %or3A_905 : vector<16xi32>
    %bitcast3A_907 = vector.bitcast %or3A_906 : vector<16xi32> to vector<16xf32>
    %gt3A_908 = arith.constant 1.500000e+00 : f32
    %gt3A_909 = vector.broadcast %gt3A_908 : f32 to vector<16xf32>
    %gt3A_910 = arith.cmpf ogt, %bitcast3A_907, %gt3A_909 : vector<16xf32>
    %mul3A_911 = arith.constant 5.000000e-01 : f32
    %mul3A_912 = vector.broadcast %mul3A_911 : f32 to vector<16xf32>
    %mul3A_913 = arith.mulf %bitcast3A_907, %mul3A_912 : vector<16xf32>
    %select_n3A_914 = arith.select %gt3A_910, %mul3A_913, %bitcast3A_907 : vector<16xi1>, vector<16xf32>
    %add3A_915 = arith.constant 1 : i32
    %add3A_916 = vector.broadcast %add3A_915 : i32 to vector<16xi32>
    %add3A_917 = arith.addi %sub3A_900, %add3A_916 : vector<16xi32>
    %select_n3A_918 = arith.select %gt3A_910, %add3A_917, %sub3A_900 : vector<16xi1>, vector<16xi32>
    %sub3A_919 = arith.constant 1.000000e+00 : f32
    %sub3A_920 = vector.broadcast %sub3A_919 : f32 to vector<16xf32>
    %sub3A_921 = arith.subf %select_n3A_914, %sub3A_920 : vector<16xf32>
    %add3A_922 = arith.constant 1.000000e+00 : f32
    %add3A_923 = vector.broadcast %add3A_922 : f32 to vector<16xf32>
    %add3A_924 = arith.addf %select_n3A_914, %add3A_923 : vector<16xf32>
    %div3A_925 = arith.divf %sub3A_921, %add3A_924 : vector<16xf32>
    %mul3A_926 = arith.mulf %div3A_925, %div3A_925 : vector<16xf32>
    %broadcast_in_dim3A_927 = arith.constant 0.142857149 : f32
    %broadcast_in_dim3A_928 = vector.broadcast %broadcast_in_dim3A_927 : f32 to vector<16xf32>
    %mul3A_929 = arith.mulf %broadcast_in_dim3A_928, %mul3A_926 : vector<16xf32>
    %add3A_930 = arith.constant 2.000000e-01 : f32
    %add3A_931 = vector.broadcast %add3A_930 : f32 to vector<16xf32>
    %add3A_932 = arith.addf %mul3A_929, %add3A_931 : vector<16xf32>
    %mul3A_933 = arith.mulf %add3A_932, %mul3A_926 : vector<16xf32>
    %add3A_934 = arith.constant 0.333333343 : f32
    %add3A_935 = vector.broadcast %add3A_934 : f32 to vector<16xf32>
    %add3A_936 = arith.addf %mul3A_933, %add3A_935 : vector<16xf32>
    %mul3A_937 = arith.mulf %add3A_936, %mul3A_926 : vector<16xf32>
    %add3A_938 = arith.constant 1.000000e+00 : f32
    %add3A_939 = vector.broadcast %add3A_938 : f32 to vector<16xf32>
    %add3A_940 = arith.addf %mul3A_937, %add3A_939 : vector<16xf32>
    %convert_element_type3A_941 = arith.sitofp %select_n3A_918 : vector<16xi32> to vector<16xf32>
    %mul3A_942 = arith.constant 0.693147182 : f32
    %mul3A_943 = vector.broadcast %mul3A_942 : f32 to vector<16xf32>
    %mul3A_944 = arith.mulf %convert_element_type3A_941, %mul3A_943 : vector<16xf32>
    %mul3A_945 = arith.constant 2.000000e+00 : f32
    %mul3A_946 = vector.broadcast %mul3A_945 : f32 to vector<16xf32>
    %mul3A_947 = arith.mulf %mul3A_946, %div3A_925 : vector<16xf32>
    %mul3A_948 = arith.mulf %mul3A_947, %add3A_940 : vector<16xf32>
    %add3A_949 = arith.addf %mul3A_944, %mul3A_948 : vector<16xf32>
    %get3A_950 = arith.constant 128 : index
    %get3A_951 = tpu.vector_load %arg7[%get3A_950] {strides = array<i32>} : memref<256xf32, #tpu.memory_space<vmem>>, vector<16xf32>,
    %get3A_952 = arith.constant 128 : index
    %get3A_953 = tpu.vector_load %arg6[%get3A_952] {strides = array<i32>} : memref<256xf32, #tpu.memory_space<vmem>>, vector<16xf32>,
    %sub3A_954 = arith.subf %add3A_949, %get3A_953 : vector<16xf32>
    %mul3A_955 = arith.mulf %get3A_951, %sub3A_954 : vector<16xf32>
    %add3A_956 = arith.addf %add3A_881, %mul3A_955 : vector<16xf32>
    %add3A_957 = arith.addf %add3A_882, %get3A_951 : vector<16xf32>
    %get3A_958 = arith.constant 16 : index
    %get3A_959 = tpu.vector_load %arg9[%get3A_958] {strides = array<i32>} : memref<128xi32, #tpu.memory_space<vmem>>, vector<16xi32>,
    %gather3A_960 = tpu.vector_load_idx %arg16[%get3A_959] : memref<1024xf32, #tpu.memory_space<vmem>>[vector<16xi32>], vector<16xf32>,
    %shift_right_arithmetic3A_961 = arith.constant 6 : i32
    %shift_right_arithmetic3A_962 = vector.broadcast %shift_right_arithmetic3A_961 : i32 to vector<16xi32>
    %shift_right_arithmetic3A_963 = arith.shrsi %get3A_959, %shift_right_arithmetic3A_962 : vector<16xi32>
    %gather3A_964 = tpu.vector_load_idx %arg18[%shift_right_arithmetic3A_963] : memref<16xf32, #tpu.memory_space<vmem>>[vector<16xi32>], vector<16xf32>,
    %add3A_965 = arith.addf %gather3A_960, %gather3A_964 : vector<16xf32>
    %bitcast3A_966 = vector.bitcast %add3A_965 : vector<16xf32> to vector<16xi32>
    %shift_right_arithmetic3A_967 = arith.constant 23 : i32
    %shift_right_arithmetic3A_968 = vector.broadcast %shift_right_arithmetic3A_967 : i32 to vector<16xi32>
    %shift_right_arithmetic3A_969 = arith.shrsi %bitcast3A_966, %shift_right_arithmetic3A_968 : vector<16xi32>
    %and3A_970 = arith.constant 255 : i32
    %and3A_971 = vector.broadcast %and3A_970 : i32 to vector<16xi32>
    %and3A_972 = arith.andi %shift_right_arithmetic3A_969, %and3A_971 : vector<16xi32>
    %sub3A_973 = arith.constant 127 : i32
    %sub3A_974 = vector.broadcast %sub3A_973 : i32 to vector<16xi32>
    %sub3A_975 = arith.subi %and3A_972, %sub3A_974 : vector<16xi32>
    %and3A_976 = arith.constant 8388607 : i32
    %and3A_977 = vector.broadcast %and3A_976 : i32 to vector<16xi32>
    %and3A_978 = arith.andi %bitcast3A_966, %and3A_977 : vector<16xi32>
    %or3A_979 = arith.constant 1065353216 : i32
    %or3A_980 = vector.broadcast %or3A_979 : i32 to vector<16xi32>
    %or3A_981 = arith.ori %and3A_978, %or3A_980 : vector<16xi32>
    %bitcast3A_982 = vector.bitcast %or3A_981 : vector<16xi32> to vector<16xf32>
    %gt3A_983 = arith.constant 1.500000e+00 : f32
    %gt3A_984 = vector.broadcast %gt3A_983 : f32 to vector<16xf32>
    %gt3A_985 = arith.cmpf ogt, %bitcast3A_982, %gt3A_984 : vector<16xf32>
    %mul3A_986 = arith.constant 5.000000e-01 : f32
    %mul3A_987 = vector.broadcast %mul3A_986 : f32 to vector<16xf32>
    %mul3A_988 = arith.mulf %bitcast3A_982, %mul3A_987 : vector<16xf32>
    %select_n3A_989 = arith.select %gt3A_985, %mul3A_988, %bitcast3A_982 : vector<16xi1>, vector<16xf32>
    %add3A_990 = arith.constant 1 : i32
    %add3A_991 = vector.broadcast %add3A_990 : i32 to vector<16xi32>
    %add3A_992 = arith.addi %sub3A_975, %add3A_991 : vector<16xi32>
    %select_n3A_993 = arith.select %gt3A_985, %add3A_992, %sub3A_975 : vector<16xi1>, vector<16xi32>
    %sub3A_994 = arith.constant 1.000000e+00 : f32
    %sub3A_995 = vector.broadcast %sub3A_994 : f32 to vector<16xf32>
    %sub3A_996 = arith.subf %select_n3A_989, %sub3A_995 : vector<16xf32>
    %add3A_997 = arith.constant 1.000000e+00 : f32
    %add3A_998 = vector.broadcast %add3A_997 : f32 to vector<16xf32>
    %add3A_999 = arith.addf %select_n3A_989, %add3A_998 : vector<16xf32>
    %div3A_1000 = arith.divf %sub3A_996, %add3A_999 : vector<16xf32>
    %mul3A_1001 = arith.mulf %div3A_1000, %div3A_1000 : vector<16xf32>
    %broadcast_in_dim3A_1002 = arith.constant 0.142857149 : f32
    %broadcast_in_dim3A_1003 = vector.broadcast %broadcast_in_dim3A_1002 : f32 to vector<16xf32>
    %mul3A_1004 = arith.mulf %broadcast_in_dim3A_1003, %mul3A_1001 : vector<16xf32>
    %add3A_1005 = arith.constant 2.000000e-01 : f32
    %add3A_1006 = vector.broadcast %add3A_1005 : f32 to vector<16xf32>
    %add3A_1007 = arith.addf %mul3A_1004, %add3A_1006 : vector<16xf32>
    %mul3A_1008 = arith.mulf %add3A_1007, %mul3A_1001 : vector<16xf32>
    %add3A_1009 = arith.constant 0.333333343 : f32
    %add3A_1010 = vector.broadcast %add3A_1009 : f32 to vector<16xf32>
    %add3A_1011 = arith.addf %mul3A_1008, %add3A_1010 : vector<16xf32>
    %mul3A_1012 = arith.mulf %add3A_1011, %mul3A_1001 : vector<16xf32>
    %add3A_1013 = arith.constant 1.000000e+00 : f32
    %add3A_1014 = vector.broadcast %add3A_1013 : f32 to vector<16xf32>
    %add3A_1015 = arith.addf %mul3A_1012, %add3A_1014 : vector<16xf32>
    %convert_element_type3A_1016 = arith.sitofp %select_n3A_993 : vector<16xi32> to vector<16xf32>
    %mul3A_1017 = arith.constant 0.693147182 : f32
    %mul3A_1018 = vector.broadcast %mul3A_1017 : f32 to vector<16xf32>
    %mul3A_1019 = arith.mulf %convert_element_type3A_1016, %mul3A_1018 : vector<16xf32>
    %mul3A_1020 = arith.constant 2.000000e+00 : f32
    %mul3A_1021 = vector.broadcast %mul3A_1020 : f32 to vector<16xf32>
    %mul3A_1022 = arith.mulf %mul3A_1021, %div3A_1000 : vector<16xf32>
    %mul3A_1023 = arith.mulf %mul3A_1022, %add3A_1015 : vector<16xf32>
    %add3A_1024 = arith.addf %mul3A_1019, %mul3A_1023 : vector<16xf32>
    %get3A_1025 = arith.constant 144 : index
    %get3A_1026 = tpu.vector_load %arg7[%get3A_1025] {strides = array<i32>} : memref<256xf32, #tpu.memory_space<vmem>>, vector<16xf32>,
    %get3A_1027 = arith.constant 144 : index
    %get3A_1028 = tpu.vector_load %arg6[%get3A_1027] {strides = array<i32>} : memref<256xf32, #tpu.memory_space<vmem>>, vector<16xf32>,
    %sub3A_1029 = arith.subf %add3A_1024, %get3A_1028 : vector<16xf32>
    %mul3A_1030 = arith.mulf %get3A_1026, %sub3A_1029 : vector<16xf32>
    %add3A_1031 = arith.addf %add3A_956, %mul3A_1030 : vector<16xf32>
    %add3A_1032 = arith.addf %add3A_957, %get3A_1026 : vector<16xf32>
    %get3A_1033 = arith.constant 32 : index
    %get3A_1034 = tpu.vector_load %arg9[%get3A_1033] {strides = array<i32>} : memref<128xi32, #tpu.memory_space<vmem>>, vector<16xi32>,
    %gather3A_1035 = tpu.vector_load_idx %arg16[%get3A_1034] : memref<1024xf32, #tpu.memory_space<vmem>>[vector<16xi32>], vector<16xf32>,
    %shift_right_arithmetic3A_1036 = arith.constant 6 : i32
    %shift_right_arithmetic3A_1037 = vector.broadcast %shift_right_arithmetic3A_1036 : i32 to vector<16xi32>
    %shift_right_arithmetic3A_1038 = arith.shrsi %get3A_1034, %shift_right_arithmetic3A_1037 : vector<16xi32>
    %gather3A_1039 = tpu.vector_load_idx %arg18[%shift_right_arithmetic3A_1038] : memref<16xf32, #tpu.memory_space<vmem>>[vector<16xi32>], vector<16xf32>,
    %add3A_1040 = arith.addf %gather3A_1035, %gather3A_1039 : vector<16xf32>
    %bitcast3A_1041 = vector.bitcast %add3A_1040 : vector<16xf32> to vector<16xi32>
    %shift_right_arithmetic3A_1042 = arith.constant 23 : i32
    %shift_right_arithmetic3A_1043 = vector.broadcast %shift_right_arithmetic3A_1042 : i32 to vector<16xi32>
    %shift_right_arithmetic3A_1044 = arith.shrsi %bitcast3A_1041, %shift_right_arithmetic3A_1043 : vector<16xi32>
    %and3A_1045 = arith.constant 255 : i32
    %and3A_1046 = vector.broadcast %and3A_1045 : i32 to vector<16xi32>
    %and3A_1047 = arith.andi %shift_right_arithmetic3A_1044, %and3A_1046 : vector<16xi32>
    %sub3A_1048 = arith.constant 127 : i32
    %sub3A_1049 = vector.broadcast %sub3A_1048 : i32 to vector<16xi32>
    %sub3A_1050 = arith.subi %and3A_1047, %sub3A_1049 : vector<16xi32>
    %and3A_1051 = arith.constant 8388607 : i32
    %and3A_1052 = vector.broadcast %and3A_1051 : i32 to vector<16xi32>
    %and3A_1053 = arith.andi %bitcast3A_1041, %and3A_1052 : vector<16xi32>
    %or3A_1054 = arith.constant 1065353216 : i32
    %or3A_1055 = vector.broadcast %or3A_1054 : i32 to vector<16xi32>
    %or3A_1056 = arith.ori %and3A_1053, %or3A_1055 : vector<16xi32>
    %bitcast3A_1057 = vector.bitcast %or3A_1056 : vector<16xi32> to vector<16xf32>
    %gt3A_1058 = arith.constant 1.500000e+00 : f32
    %gt3A_1059 = vector.broadcast %gt3A_1058 : f32 to vector<16xf32>
    %gt3A_1060 = arith.cmpf ogt, %bitcast3A_1057, %gt3A_1059 : vector<16xf32>
    %mul3A_1061 = arith.constant 5.000000e-01 : f32
    %mul3A_1062 = vector.broadcast %mul3A_1061 : f32 to vector<16xf32>
    %mul3A_1063 = arith.mulf %bitcast3A_1057, %mul3A_1062 : vector<16xf32>
    %select_n3A_1064 = arith.select %gt3A_1060, %mul3A_1063, %bitcast3A_1057 : vector<16xi1>, vector<16xf32>
    %add3A_1065 = arith.constant 1 : i32
    %add3A_1066 = vector.broadcast %add3A_1065 : i32 to vector<16xi32>
    %add3A_1067 = arith.addi %sub3A_1050, %add3A_1066 : vector<16xi32>
    %select_n3A_1068 = arith.select %gt3A_1060, %add3A_1067, %sub3A_1050 : vector<16xi1>, vector<16xi32>
    %sub3A_1069 = arith.constant 1.000000e+00 : f32
    %sub3A_1070 = vector.broadcast %sub3A_1069 : f32 to vector<16xf32>
    %sub3A_1071 = arith.subf %select_n3A_1064, %sub3A_1070 : vector<16xf32>
    %add3A_1072 = arith.constant 1.000000e+00 : f32
    %add3A_1073 = vector.broadcast %add3A_1072 : f32 to vector<16xf32>
    %add3A_1074 = arith.addf %select_n3A_1064, %add3A_1073 : vector<16xf32>
    %div3A_1075 = arith.divf %sub3A_1071, %add3A_1074 : vector<16xf32>
    %mul3A_1076 = arith.mulf %div3A_1075, %div3A_1075 : vector<16xf32>
    %broadcast_in_dim3A_1077 = arith.constant 0.142857149 : f32
    %broadcast_in_dim3A_1078 = vector.broadcast %broadcast_in_dim3A_1077 : f32 to vector<16xf32>
    %mul3A_1079 = arith.mulf %broadcast_in_dim3A_1078, %mul3A_1076 : vector<16xf32>
    %add3A_1080 = arith.constant 2.000000e-01 : f32
    %add3A_1081 = vector.broadcast %add3A_1080 : f32 to vector<16xf32>
    %add3A_1082 = arith.addf %mul3A_1079, %add3A_1081 : vector<16xf32>
    %mul3A_1083 = arith.mulf %add3A_1082, %mul3A_1076 : vector<16xf32>
    %add3A_1084 = arith.constant 0.333333343 : f32
    %add3A_1085 = vector.broadcast %add3A_1084 : f32 to vector<16xf32>
    %add3A_1086 = arith.addf %mul3A_1083, %add3A_1085 : vector<16xf32>
    %mul3A_1087 = arith.mulf %add3A_1086, %mul3A_1076 : vector<16xf32>
    %add3A_1088 = arith.constant 1.000000e+00 : f32
    %add3A_1089 = vector.broadcast %add3A_1088 : f32 to vector<16xf32>
    %add3A_1090 = arith.addf %mul3A_1087, %add3A_1089 : vector<16xf32>
    %convert_element_type3A_1091 = arith.sitofp %select_n3A_1068 : vector<16xi32> to vector<16xf32>
    %mul3A_1092 = arith.constant 0.693147182 : f32
    %mul3A_1093 = vector.broadcast %mul3A_1092 : f32 to vector<16xf32>
    %mul3A_1094 = arith.mulf %convert_element_type3A_1091, %mul3A_1093 : vector<16xf32>
    %mul3A_1095 = arith.constant 2.000000e+00 : f32
    %mul3A_1096 = vector.broadcast %mul3A_1095 : f32 to vector<16xf32>
    %mul3A_1097 = arith.mulf %mul3A_1096, %div3A_1075 : vector<16xf32>
    %mul3A_1098 = arith.mulf %mul3A_1097, %add3A_1090 : vector<16xf32>
    %add3A_1099 = arith.addf %mul3A_1094, %mul3A_1098 : vector<16xf32>
    %get3A_1100 = arith.constant 160 : index
    %get3A_1101 = tpu.vector_load %arg7[%get3A_1100] {strides = array<i32>} : memref<256xf32, #tpu.memory_space<vmem>>, vector<16xf32>,
    %get3A_1102 = arith.constant 160 : index
    %get3A_1103 = tpu.vector_load %arg6[%get3A_1102] {strides = array<i32>} : memref<256xf32, #tpu.memory_space<vmem>>, vector<16xf32>,
    %sub3A_1104 = arith.subf %add3A_1099, %get3A_1103 : vector<16xf32>
    %mul3A_1105 = arith.mulf %get3A_1101, %sub3A_1104 : vector<16xf32>
    %add3A_1106 = arith.addf %add3A_1031, %mul3A_1105 : vector<16xf32>
    %add3A_1107 = arith.addf %add3A_1032, %get3A_1101 : vector<16xf32>
    %get3A_1108 = arith.constant 48 : index
    %get3A_1109 = tpu.vector_load %arg9[%get3A_1108] {strides = array<i32>} : memref<128xi32, #tpu.memory_space<vmem>>, vector<16xi32>,
    %gather3A_1110 = tpu.vector_load_idx %arg16[%get3A_1109] : memref<1024xf32, #tpu.memory_space<vmem>>[vector<16xi32>], vector<16xf32>,
    %shift_right_arithmetic3A_1111 = arith.constant 6 : i32
    %shift_right_arithmetic3A_1112 = vector.broadcast %shift_right_arithmetic3A_1111 : i32 to vector<16xi32>
    %shift_right_arithmetic3A_1113 = arith.shrsi %get3A_1109, %shift_right_arithmetic3A_1112 : vector<16xi32>
    %gather3A_1114 = tpu.vector_load_idx %arg18[%shift_right_arithmetic3A_1113] : memref<16xf32, #tpu.memory_space<vmem>>[vector<16xi32>], vector<16xf32>,
    %add3A_1115 = arith.addf %gather3A_1110, %gather3A_1114 : vector<16xf32>
    %bitcast3A_1116 = vector.bitcast %add3A_1115 : vector<16xf32> to vector<16xi32>
    %shift_right_arithmetic3A_1117 = arith.constant 23 : i32
    %shift_right_arithmetic3A_1118 = vector.broadcast %shift_right_arithmetic3A_1117 : i32 to vector<16xi32>
    %shift_right_arithmetic3A_1119 = arith.shrsi %bitcast3A_1116, %shift_right_arithmetic3A_1118 : vector<16xi32>
    %and3A_1120 = arith.constant 255 : i32
    %and3A_1121 = vector.broadcast %and3A_1120 : i32 to vector<16xi32>
    %and3A_1122 = arith.andi %shift_right_arithmetic3A_1119, %and3A_1121 : vector<16xi32>
    %sub3A_1123 = arith.constant 127 : i32
    %sub3A_1124 = vector.broadcast %sub3A_1123 : i32 to vector<16xi32>
    %sub3A_1125 = arith.subi %and3A_1122, %sub3A_1124 : vector<16xi32>
    %and3A_1126 = arith.constant 8388607 : i32
    %and3A_1127 = vector.broadcast %and3A_1126 : i32 to vector<16xi32>
    %and3A_1128 = arith.andi %bitcast3A_1116, %and3A_1127 : vector<16xi32>
    %or3A_1129 = arith.constant 1065353216 : i32
    %or3A_1130 = vector.broadcast %or3A_1129 : i32 to vector<16xi32>
    %or3A_1131 = arith.ori %and3A_1128, %or3A_1130 : vector<16xi32>
    %bitcast3A_1132 = vector.bitcast %or3A_1131 : vector<16xi32> to vector<16xf32>
    %gt3A_1133 = arith.constant 1.500000e+00 : f32
    %gt3A_1134 = vector.broadcast %gt3A_1133 : f32 to vector<16xf32>
    %gt3A_1135 = arith.cmpf ogt, %bitcast3A_1132, %gt3A_1134 : vector<16xf32>
    %mul3A_1136 = arith.constant 5.000000e-01 : f32
    %mul3A_1137 = vector.broadcast %mul3A_1136 : f32 to vector<16xf32>
    %mul3A_1138 = arith.mulf %bitcast3A_1132, %mul3A_1137 : vector<16xf32>
    %select_n3A_1139 = arith.select %gt3A_1135, %mul3A_1138, %bitcast3A_1132 : vector<16xi1>, vector<16xf32>
    %add3A_1140 = arith.constant 1 : i32
    %add3A_1141 = vector.broadcast %add3A_1140 : i32 to vector<16xi32>
    %add3A_1142 = arith.addi %sub3A_1125, %add3A_1141 : vector<16xi32>
    %select_n3A_1143 = arith.select %gt3A_1135, %add3A_1142, %sub3A_1125 : vector<16xi1>, vector<16xi32>
    %sub3A_1144 = arith.constant 1.000000e+00 : f32
    %sub3A_1145 = vector.broadcast %sub3A_1144 : f32 to vector<16xf32>
    %sub3A_1146 = arith.subf %select_n3A_1139, %sub3A_1145 : vector<16xf32>
    %add3A_1147 = arith.constant 1.000000e+00 : f32
    %add3A_1148 = vector.broadcast %add3A_1147 : f32 to vector<16xf32>
    %add3A_1149 = arith.addf %select_n3A_1139, %add3A_1148 : vector<16xf32>
    %div3A_1150 = arith.divf %sub3A_1146, %add3A_1149 : vector<16xf32>
    %mul3A_1151 = arith.mulf %div3A_1150, %div3A_1150 : vector<16xf32>
    %broadcast_in_dim3A_1152 = arith.constant 0.142857149 : f32
    %broadcast_in_dim3A_1153 = vector.broadcast %broadcast_in_dim3A_1152 : f32 to vector<16xf32>
    %mul3A_1154 = arith.mulf %broadcast_in_dim3A_1153, %mul3A_1151 : vector<16xf32>
    %add3A_1155 = arith.constant 2.000000e-01 : f32
    %add3A_1156 = vector.broadcast %add3A_1155 : f32 to vector<16xf32>
    %add3A_1157 = arith.addf %mul3A_1154, %add3A_1156 : vector<16xf32>
    %mul3A_1158 = arith.mulf %add3A_1157, %mul3A_1151 : vector<16xf32>
    %add3A_1159 = arith.constant 0.333333343 : f32
    %add3A_1160 = vector.broadcast %add3A_1159 : f32 to vector<16xf32>
    %add3A_1161 = arith.addf %mul3A_1158, %add3A_1160 : vector<16xf32>
    %mul3A_1162 = arith.mulf %add3A_1161, %mul3A_1151 : vector<16xf32>
    %add3A_1163 = arith.constant 1.000000e+00 : f32
    %add3A_1164 = vector.broadcast %add3A_1163 : f32 to vector<16xf32>
    %add3A_1165 = arith.addf %mul3A_1162, %add3A_1164 : vector<16xf32>
    %convert_element_type3A_1166 = arith.sitofp %select_n3A_1143 : vector<16xi32> to vector<16xf32>
    %mul3A_1167 = arith.constant 0.693147182 : f32
    %mul3A_1168 = vector.broadcast %mul3A_1167 : f32 to vector<16xf32>
    %mul3A_1169 = arith.mulf %convert_element_type3A_1166, %mul3A_1168 : vector<16xf32>
    %mul3A_1170 = arith.constant 2.000000e+00 : f32
    %mul3A_1171 = vector.broadcast %mul3A_1170 : f32 to vector<16xf32>
    %mul3A_1172 = arith.mulf %mul3A_1171, %div3A_1150 : vector<16xf32>
    %mul3A_1173 = arith.mulf %mul3A_1172, %add3A_1165 : vector<16xf32>
    %add3A_1174 = arith.addf %mul3A_1169, %mul3A_1173 : vector<16xf32>
    %get3A_1175 = arith.constant 176 : index
    %get3A_1176 = tpu.vector_load %arg7[%get3A_1175] {strides = array<i32>} : memref<256xf32, #tpu.memory_space<vmem>>, vector<16xf32>,
    %get3A_1177 = arith.constant 176 : index
    %get3A_1178 = tpu.vector_load %arg6[%get3A_1177] {strides = array<i32>} : memref<256xf32, #tpu.memory_space<vmem>>, vector<16xf32>,
    %sub3A_1179 = arith.subf %add3A_1174, %get3A_1178 : vector<16xf32>
    %mul3A_1180 = arith.mulf %get3A_1176, %sub3A_1179 : vector<16xf32>
    %add3A_1181 = arith.addf %add3A_1106, %mul3A_1180 : vector<16xf32>
    %add3A_1182 = arith.addf %add3A_1107, %get3A_1176 : vector<16xf32>
    %get3A_1183 = arith.constant 64 : index
    %get3A_1184 = tpu.vector_load %arg9[%get3A_1183] {strides = array<i32>} : memref<128xi32, #tpu.memory_space<vmem>>, vector<16xi32>,
    %gather3A_1185 = tpu.vector_load_idx %arg16[%get3A_1184] : memref<1024xf32, #tpu.memory_space<vmem>>[vector<16xi32>], vector<16xf32>,
    %shift_right_arithmetic3A_1186 = arith.constant 6 : i32
    %shift_right_arithmetic3A_1187 = vector.broadcast %shift_right_arithmetic3A_1186 : i32 to vector<16xi32>
    %shift_right_arithmetic3A_1188 = arith.shrsi %get3A_1184, %shift_right_arithmetic3A_1187 : vector<16xi32>
    %gather3A_1189 = tpu.vector_load_idx %arg18[%shift_right_arithmetic3A_1188] : memref<16xf32, #tpu.memory_space<vmem>>[vector<16xi32>], vector<16xf32>,
    %add3A_1190 = arith.addf %gather3A_1185, %gather3A_1189 : vector<16xf32>
    %bitcast3A_1191 = vector.bitcast %add3A_1190 : vector<16xf32> to vector<16xi32>
    %shift_right_arithmetic3A_1192 = arith.constant 23 : i32
    %shift_right_arithmetic3A_1193 = vector.broadcast %shift_right_arithmetic3A_1192 : i32 to vector<16xi32>
    %shift_right_arithmetic3A_1194 = arith.shrsi %bitcast3A_1191, %shift_right_arithmetic3A_1193 : vector<16xi32>
    %and3A_1195 = arith.constant 255 : i32
    %and3A_1196 = vector.broadcast %and3A_1195 : i32 to vector<16xi32>
    %and3A_1197 = arith.andi %shift_right_arithmetic3A_1194, %and3A_1196 : vector<16xi32>
    %sub3A_1198 = arith.constant 127 : i32
    %sub3A_1199 = vector.broadcast %sub3A_1198 : i32 to vector<16xi32>
    %sub3A_1200 = arith.subi %and3A_1197, %sub3A_1199 : vector<16xi32>
    %and3A_1201 = arith.constant 8388607 : i32
    %and3A_1202 = vector.broadcast %and3A_1201 : i32 to vector<16xi32>
    %and3A_1203 = arith.andi %bitcast3A_1191, %and3A_1202 : vector<16xi32>
    %or3A_1204 = arith.constant 1065353216 : i32
    %or3A_1205 = vector.broadcast %or3A_1204 : i32 to vector<16xi32>
    %or3A_1206 = arith.ori %and3A_1203, %or3A_1205 : vector<16xi32>
    %bitcast3A_1207 = vector.bitcast %or3A_1206 : vector<16xi32> to vector<16xf32>
    %gt3A_1208 = arith.constant 1.500000e+00 : f32
    %gt3A_1209 = vector.broadcast %gt3A_1208 : f32 to vector<16xf32>
    %gt3A_1210 = arith.cmpf ogt, %bitcast3A_1207, %gt3A_1209 : vector<16xf32>
    %mul3A_1211 = arith.constant 5.000000e-01 : f32
    %mul3A_1212 = vector.broadcast %mul3A_1211 : f32 to vector<16xf32>
    %mul3A_1213 = arith.mulf %bitcast3A_1207, %mul3A_1212 : vector<16xf32>
    %select_n3A_1214 = arith.select %gt3A_1210, %mul3A_1213, %bitcast3A_1207 : vector<16xi1>, vector<16xf32>
    %add3A_1215 = arith.constant 1 : i32
    %add3A_1216 = vector.broadcast %add3A_1215 : i32 to vector<16xi32>
    %add3A_1217 = arith.addi %sub3A_1200, %add3A_1216 : vector<16xi32>
    %select_n3A_1218 = arith.select %gt3A_1210, %add3A_1217, %sub3A_1200 : vector<16xi1>, vector<16xi32>
    %sub3A_1219 = arith.constant 1.000000e+00 : f32
    %sub3A_1220 = vector.broadcast %sub3A_1219 : f32 to vector<16xf32>
    %sub3A_1221 = arith.subf %select_n3A_1214, %sub3A_1220 : vector<16xf32>
    %add3A_1222 = arith.constant 1.000000e+00 : f32
    %add3A_1223 = vector.broadcast %add3A_1222 : f32 to vector<16xf32>
    %add3A_1224 = arith.addf %select_n3A_1214, %add3A_1223 : vector<16xf32>
    %div3A_1225 = arith.divf %sub3A_1221, %add3A_1224 : vector<16xf32>
    %mul3A_1226 = arith.mulf %div3A_1225, %div3A_1225 : vector<16xf32>
    %broadcast_in_dim3A_1227 = arith.constant 0.142857149 : f32
    %broadcast_in_dim3A_1228 = vector.broadcast %broadcast_in_dim3A_1227 : f32 to vector<16xf32>
    %mul3A_1229 = arith.mulf %broadcast_in_dim3A_1228, %mul3A_1226 : vector<16xf32>
    %add3A_1230 = arith.constant 2.000000e-01 : f32
    %add3A_1231 = vector.broadcast %add3A_1230 : f32 to vector<16xf32>
    %add3A_1232 = arith.addf %mul3A_1229, %add3A_1231 : vector<16xf32>
    %mul3A_1233 = arith.mulf %add3A_1232, %mul3A_1226 : vector<16xf32>
    %add3A_1234 = arith.constant 0.333333343 : f32
    %add3A_1235 = vector.broadcast %add3A_1234 : f32 to vector<16xf32>
    %add3A_1236 = arith.addf %mul3A_1233, %add3A_1235 : vector<16xf32>
    %mul3A_1237 = arith.mulf %add3A_1236, %mul3A_1226 : vector<16xf32>
    %add3A_1238 = arith.constant 1.000000e+00 : f32
    %add3A_1239 = vector.broadcast %add3A_1238 : f32 to vector<16xf32>
    %add3A_1240 = arith.addf %mul3A_1237, %add3A_1239 : vector<16xf32>
    %convert_element_type3A_1241 = arith.sitofp %select_n3A_1218 : vector<16xi32> to vector<16xf32>
    %mul3A_1242 = arith.constant 0.693147182 : f32
    %mul3A_1243 = vector.broadcast %mul3A_1242 : f32 to vector<16xf32>
    %mul3A_1244 = arith.mulf %convert_element_type3A_1241, %mul3A_1243 : vector<16xf32>
    %mul3A_1245 = arith.constant 2.000000e+00 : f32
    %mul3A_1246 = vector.broadcast %mul3A_1245 : f32 to vector<16xf32>
    %mul3A_1247 = arith.mulf %mul3A_1246, %div3A_1225 : vector<16xf32>
    %mul3A_1248 = arith.mulf %mul3A_1247, %add3A_1240 : vector<16xf32>
    %add3A_1249 = arith.addf %mul3A_1244, %mul3A_1248 : vector<16xf32>
    %get3A_1250 = arith.constant 192 : index
    %get3A_1251 = tpu.vector_load %arg7[%get3A_1250] {strides = array<i32>} : memref<256xf32, #tpu.memory_space<vmem>>, vector<16xf32>,
    %get3A_1252 = arith.constant 192 : index
    %get3A_1253 = tpu.vector_load %arg6[%get3A_1252] {strides = array<i32>} : memref<256xf32, #tpu.memory_space<vmem>>, vector<16xf32>,
    %sub3A_1254 = arith.subf %add3A_1249, %get3A_1253 : vector<16xf32>
    %mul3A_1255 = arith.mulf %get3A_1251, %sub3A_1254 : vector<16xf32>
    %add3A_1256 = arith.addf %add3A_1181, %mul3A_1255 : vector<16xf32>
    %add3A_1257 = arith.addf %add3A_1182, %get3A_1251 : vector<16xf32>
    %get3A_1258 = arith.constant 80 : index
    %get3A_1259 = tpu.vector_load %arg9[%get3A_1258] {strides = array<i32>} : memref<128xi32, #tpu.memory_space<vmem>>, vector<16xi32>,
    %gather3A_1260 = tpu.vector_load_idx %arg16[%get3A_1259] : memref<1024xf32, #tpu.memory_space<vmem>>[vector<16xi32>], vector<16xf32>,
    %shift_right_arithmetic3A_1261 = arith.constant 6 : i32
    %shift_right_arithmetic3A_1262 = vector.broadcast %shift_right_arithmetic3A_1261 : i32 to vector<16xi32>
    %shift_right_arithmetic3A_1263 = arith.shrsi %get3A_1259, %shift_right_arithmetic3A_1262 : vector<16xi32>
    %gather3A_1264 = tpu.vector_load_idx %arg18[%shift_right_arithmetic3A_1263] : memref<16xf32, #tpu.memory_space<vmem>>[vector<16xi32>], vector<16xf32>,
    %add3A_1265 = arith.addf %gather3A_1260, %gather3A_1264 : vector<16xf32>
    %bitcast3A_1266 = vector.bitcast %add3A_1265 : vector<16xf32> to vector<16xi32>
    %shift_right_arithmetic3A_1267 = arith.constant 23 : i32
    %shift_right_arithmetic3A_1268 = vector.broadcast %shift_right_arithmetic3A_1267 : i32 to vector<16xi32>
    %shift_right_arithmetic3A_1269 = arith.shrsi %bitcast3A_1266, %shift_right_arithmetic3A_1268 : vector<16xi32>
    %and3A_1270 = arith.constant 255 : i32
    %and3A_1271 = vector.broadcast %and3A_1270 : i32 to vector<16xi32>
    %and3A_1272 = arith.andi %shift_right_arithmetic3A_1269, %and3A_1271 : vector<16xi32>
    %sub3A_1273 = arith.constant 127 : i32
    %sub3A_1274 = vector.broadcast %sub3A_1273 : i32 to vector<16xi32>
    %sub3A_1275 = arith.subi %and3A_1272, %sub3A_1274 : vector<16xi32>
    %and3A_1276 = arith.constant 8388607 : i32
    %and3A_1277 = vector.broadcast %and3A_1276 : i32 to vector<16xi32>
    %and3A_1278 = arith.andi %bitcast3A_1266, %and3A_1277 : vector<16xi32>
    %or3A_1279 = arith.constant 1065353216 : i32
    %or3A_1280 = vector.broadcast %or3A_1279 : i32 to vector<16xi32>
    %or3A_1281 = arith.ori %and3A_1278, %or3A_1280 : vector<16xi32>
    %bitcast3A_1282 = vector.bitcast %or3A_1281 : vector<16xi32> to vector<16xf32>
    %gt3A_1283 = arith.constant 1.500000e+00 : f32
    %gt3A_1284 = vector.broadcast %gt3A_1283 : f32 to vector<16xf32>
    %gt3A_1285 = arith.cmpf ogt, %bitcast3A_1282, %gt3A_1284 : vector<16xf32>
    %mul3A_1286 = arith.constant 5.000000e-01 : f32
    %mul3A_1287 = vector.broadcast %mul3A_1286 : f32 to vector<16xf32>
    %mul3A_1288 = arith.mulf %bitcast3A_1282, %mul3A_1287 : vector<16xf32>
    %select_n3A_1289 = arith.select %gt3A_1285, %mul3A_1288, %bitcast3A_1282 : vector<16xi1>, vector<16xf32>
    %add3A_1290 = arith.constant 1 : i32
    %add3A_1291 = vector.broadcast %add3A_1290 : i32 to vector<16xi32>
    %add3A_1292 = arith.addi %sub3A_1275, %add3A_1291 : vector<16xi32>
    %select_n3A_1293 = arith.select %gt3A_1285, %add3A_1292, %sub3A_1275 : vector<16xi1>, vector<16xi32>
    %sub3A_1294 = arith.constant 1.000000e+00 : f32
    %sub3A_1295 = vector.broadcast %sub3A_1294 : f32 to vector<16xf32>
    %sub3A_1296 = arith.subf %select_n3A_1289, %sub3A_1295 : vector<16xf32>
    %add3A_1297 = arith.constant 1.000000e+00 : f32
    %add3A_1298 = vector.broadcast %add3A_1297 : f32 to vector<16xf32>
    %add3A_1299 = arith.addf %select_n3A_1289, %add3A_1298 : vector<16xf32>
    %div3A_1300 = arith.divf %sub3A_1296, %add3A_1299 : vector<16xf32>
    %mul3A_1301 = arith.mulf %div3A_1300, %div3A_1300 : vector<16xf32>
    %broadcast_in_dim3A_1302 = arith.constant 0.142857149 : f32
    %broadcast_in_dim3A_1303 = vector.broadcast %broadcast_in_dim3A_1302 : f32 to vector<16xf32>
    %mul3A_1304 = arith.mulf %broadcast_in_dim3A_1303, %mul3A_1301 : vector<16xf32>
    %add3A_1305 = arith.constant 2.000000e-01 : f32
    %add3A_1306 = vector.broadcast %add3A_1305 : f32 to vector<16xf32>
    %add3A_1307 = arith.addf %mul3A_1304, %add3A_1306 : vector<16xf32>
    %mul3A_1308 = arith.mulf %add3A_1307, %mul3A_1301 : vector<16xf32>
    %add3A_1309 = arith.constant 0.333333343 : f32
    %add3A_1310 = vector.broadcast %add3A_1309 : f32 to vector<16xf32>
    %add3A_1311 = arith.addf %mul3A_1308, %add3A_1310 : vector<16xf32>
    %mul3A_1312 = arith.mulf %add3A_1311, %mul3A_1301 : vector<16xf32>
    %add3A_1313 = arith.constant 1.000000e+00 : f32
    %add3A_1314 = vector.broadcast %add3A_1313 : f32 to vector<16xf32>
    %add3A_1315 = arith.addf %mul3A_1312, %add3A_1314 : vector<16xf32>
    %convert_element_type3A_1316 = arith.sitofp %select_n3A_1293 : vector<16xi32> to vector<16xf32>
    %mul3A_1317 = arith.constant 0.693147182 : f32
    %mul3A_1318 = vector.broadcast %mul3A_1317 : f32 to vector<16xf32>
    %mul3A_1319 = arith.mulf %convert_element_type3A_1316, %mul3A_1318 : vector<16xf32>
    %mul3A_1320 = arith.constant 2.000000e+00 : f32
    %mul3A_1321 = vector.broadcast %mul3A_1320 : f32 to vector<16xf32>
    %mul3A_1322 = arith.mulf %mul3A_1321, %div3A_1300 : vector<16xf32>
    %mul3A_1323 = arith.mulf %mul3A_1322, %add3A_1315 : vector<16xf32>
    %add3A_1324 = arith.addf %mul3A_1319, %mul3A_1323 : vector<16xf32>
    %get3A_1325 = arith.constant 208 : index
    %get3A_1326 = tpu.vector_load %arg7[%get3A_1325] {strides = array<i32>} : memref<256xf32, #tpu.memory_space<vmem>>, vector<16xf32>,
    %get3A_1327 = arith.constant 208 : index
    %get3A_1328 = tpu.vector_load %arg6[%get3A_1327] {strides = array<i32>} : memref<256xf32, #tpu.memory_space<vmem>>, vector<16xf32>,
    %sub3A_1329 = arith.subf %add3A_1324, %get3A_1328 : vector<16xf32>
    %mul3A_1330 = arith.mulf %get3A_1326, %sub3A_1329 : vector<16xf32>
    %add3A_1331 = arith.addf %add3A_1256, %mul3A_1330 : vector<16xf32>
    %add3A_1332 = arith.addf %add3A_1257, %get3A_1326 : vector<16xf32>
    %get3A_1333 = arith.constant 96 : index
    %get3A_1334 = tpu.vector_load %arg9[%get3A_1333] {strides = array<i32>} : memref<128xi32, #tpu.memory_space<vmem>>, vector<16xi32>,
    %gather3A_1335 = tpu.vector_load_idx %arg16[%get3A_1334] : memref<1024xf32, #tpu.memory_space<vmem>>[vector<16xi32>], vector<16xf32>,
    %shift_right_arithmetic3A_1336 = arith.constant 6 : i32
    %shift_right_arithmetic3A_1337 = vector.broadcast %shift_right_arithmetic3A_1336 : i32 to vector<16xi32>
    %shift_right_arithmetic3A_1338 = arith.shrsi %get3A_1334, %shift_right_arithmetic3A_1337 : vector<16xi32>
    %gather3A_1339 = tpu.vector_load_idx %arg18[%shift_right_arithmetic3A_1338] : memref<16xf32, #tpu.memory_space<vmem>>[vector<16xi32>], vector<16xf32>,
    %add3A_1340 = arith.addf %gather3A_1335, %gather3A_1339 : vector<16xf32>
    %bitcast3A_1341 = vector.bitcast %add3A_1340 : vector<16xf32> to vector<16xi32>
    %shift_right_arithmetic3A_1342 = arith.constant 23 : i32
    %shift_right_arithmetic3A_1343 = vector.broadcast %shift_right_arithmetic3A_1342 : i32 to vector<16xi32>
    %shift_right_arithmetic3A_1344 = arith.shrsi %bitcast3A_1341, %shift_right_arithmetic3A_1343 : vector<16xi32>
    %and3A_1345 = arith.constant 255 : i32
    %and3A_1346 = vector.broadcast %and3A_1345 : i32 to vector<16xi32>
    %and3A_1347 = arith.andi %shift_right_arithmetic3A_1344, %and3A_1346 : vector<16xi32>
    %sub3A_1348 = arith.constant 127 : i32
    %sub3A_1349 = vector.broadcast %sub3A_1348 : i32 to vector<16xi32>
    %sub3A_1350 = arith.subi %and3A_1347, %sub3A_1349 : vector<16xi32>
    %and3A_1351 = arith.constant 8388607 : i32
    %and3A_1352 = vector.broadcast %and3A_1351 : i32 to vector<16xi32>
    %and3A_1353 = arith.andi %bitcast3A_1341, %and3A_1352 : vector<16xi32>
    %or3A_1354 = arith.constant 1065353216 : i32
    %or3A_1355 = vector.broadcast %or3A_1354 : i32 to vector<16xi32>
    %or3A_1356 = arith.ori %and3A_1353, %or3A_1355 : vector<16xi32>
    %bitcast3A_1357 = vector.bitcast %or3A_1356 : vector<16xi32> to vector<16xf32>
    %gt3A_1358 = arith.constant 1.500000e+00 : f32
    %gt3A_1359 = vector.broadcast %gt3A_1358 : f32 to vector<16xf32>
    %gt3A_1360 = arith.cmpf ogt, %bitcast3A_1357, %gt3A_1359 : vector<16xf32>
    %mul3A_1361 = arith.constant 5.000000e-01 : f32
    %mul3A_1362 = vector.broadcast %mul3A_1361 : f32 to vector<16xf32>
    %mul3A_1363 = arith.mulf %bitcast3A_1357, %mul3A_1362 : vector<16xf32>
    %select_n3A_1364 = arith.select %gt3A_1360, %mul3A_1363, %bitcast3A_1357 : vector<16xi1>, vector<16xf32>
    %add3A_1365 = arith.constant 1 : i32
    %add3A_1366 = vector.broadcast %add3A_1365 : i32 to vector<16xi32>
    %add3A_1367 = arith.addi %sub3A_1350, %add3A_1366 : vector<16xi32>
    %select_n3A_1368 = arith.select %gt3A_1360, %add3A_1367, %sub3A_1350 : vector<16xi1>, vector<16xi32>
    %sub3A_1369 = arith.constant 1.000000e+00 : f32
    %sub3A_1370 = vector.broadcast %sub3A_1369 : f32 to vector<16xf32>
    %sub3A_1371 = arith.subf %select_n3A_1364, %sub3A_1370 : vector<16xf32>
    %add3A_1372 = arith.constant 1.000000e+00 : f32
    %add3A_1373 = vector.broadcast %add3A_1372 : f32 to vector<16xf32>
    %add3A_1374 = arith.addf %select_n3A_1364, %add3A_1373 : vector<16xf32>
    %div3A_1375 = arith.divf %sub3A_1371, %add3A_1374 : vector<16xf32>
    %mul3A_1376 = arith.mulf %div3A_1375, %div3A_1375 : vector<16xf32>
    %broadcast_in_dim3A_1377 = arith.constant 0.142857149 : f32
    %broadcast_in_dim3A_1378 = vector.broadcast %broadcast_in_dim3A_1377 : f32 to vector<16xf32>
    %mul3A_1379 = arith.mulf %broadcast_in_dim3A_1378, %mul3A_1376 : vector<16xf32>
    %add3A_1380 = arith.constant 2.000000e-01 : f32
    %add3A_1381 = vector.broadcast %add3A_1380 : f32 to vector<16xf32>
    %add3A_1382 = arith.addf %mul3A_1379, %add3A_1381 : vector<16xf32>
    %mul3A_1383 = arith.mulf %add3A_1382, %mul3A_1376 : vector<16xf32>
    %add3A_1384 = arith.constant 0.333333343 : f32
    %add3A_1385 = vector.broadcast %add3A_1384 : f32 to vector<16xf32>
    %add3A_1386 = arith.addf %mul3A_1383, %add3A_1385 : vector<16xf32>
    %mul3A_1387 = arith.mulf %add3A_1386, %mul3A_1376 : vector<16xf32>
    %add3A_1388 = arith.constant 1.000000e+00 : f32
    %add3A_1389 = vector.broadcast %add3A_1388 : f32 to vector<16xf32>
    %add3A_1390 = arith.addf %mul3A_1387, %add3A_1389 : vector<16xf32>
    %convert_element_type3A_1391 = arith.sitofp %select_n3A_1368 : vector<16xi32> to vector<16xf32>
    %mul3A_1392 = arith.constant 0.693147182 : f32
    %mul3A_1393 = vector.broadcast %mul3A_1392 : f32 to vector<16xf32>
    %mul3A_1394 = arith.mulf %convert_element_type3A_1391, %mul3A_1393 : vector<16xf32>
    %mul3A_1395 = arith.constant 2.000000e+00 : f32
    %mul3A_1396 = vector.broadcast %mul3A_1395 : f32 to vector<16xf32>
    %mul3A_1397 = arith.mulf %mul3A_1396, %div3A_1375 : vector<16xf32>
    %mul3A_1398 = arith.mulf %mul3A_1397, %add3A_1390 : vector<16xf32>
    %add3A_1399 = arith.addf %mul3A_1394, %mul3A_1398 : vector<16xf32>
    %get3A_1400 = arith.constant 224 : index
    %get3A_1401 = tpu.vector_load %arg7[%get3A_1400] {strides = array<i32>} : memref<256xf32, #tpu.memory_space<vmem>>, vector<16xf32>,
    %get3A_1402 = arith.constant 224 : index
    %get3A_1403 = tpu.vector_load %arg6[%get3A_1402] {strides = array<i32>} : memref<256xf32, #tpu.memory_space<vmem>>, vector<16xf32>,
    %sub3A_1404 = arith.subf %add3A_1399, %get3A_1403 : vector<16xf32>
    %mul3A_1405 = arith.mulf %get3A_1401, %sub3A_1404 : vector<16xf32>
    %add3A_1406 = arith.addf %add3A_1331, %mul3A_1405 : vector<16xf32>
    %add3A_1407 = arith.addf %add3A_1332, %get3A_1401 : vector<16xf32>
    %get3A_1408 = arith.constant 112 : index
    %get3A_1409 = tpu.vector_load %arg9[%get3A_1408] {strides = array<i32>} : memref<128xi32, #tpu.memory_space<vmem>>, vector<16xi32>,
    %gather3A_1410 = tpu.vector_load_idx %arg16[%get3A_1409] : memref<1024xf32, #tpu.memory_space<vmem>>[vector<16xi32>], vector<16xf32>,
    %shift_right_arithmetic3A_1411 = arith.constant 6 : i32
    %shift_right_arithmetic3A_1412 = vector.broadcast %shift_right_arithmetic3A_1411 : i32 to vector<16xi32>
    %shift_right_arithmetic3A_1413 = arith.shrsi %get3A_1409, %shift_right_arithmetic3A_1412 : vector<16xi32>
    %gather3A_1414 = tpu.vector_load_idx %arg18[%shift_right_arithmetic3A_1413] : memref<16xf32, #tpu.memory_space<vmem>>[vector<16xi32>], vector<16xf32>,
    %add3A_1415 = arith.addf %gather3A_1410, %gather3A_1414 : vector<16xf32>
    %bitcast3A_1416 = vector.bitcast %add3A_1415 : vector<16xf32> to vector<16xi32>
    %shift_right_arithmetic3A_1417 = arith.constant 23 : i32
    %shift_right_arithmetic3A_1418 = vector.broadcast %shift_right_arithmetic3A_1417 : i32 to vector<16xi32>
    %shift_right_arithmetic3A_1419 = arith.shrsi %bitcast3A_1416, %shift_right_arithmetic3A_1418 : vector<16xi32>
    %and3A_1420 = arith.constant 255 : i32
    %and3A_1421 = vector.broadcast %and3A_1420 : i32 to vector<16xi32>
    %and3A_1422 = arith.andi %shift_right_arithmetic3A_1419, %and3A_1421 : vector<16xi32>
    %sub3A_1423 = arith.constant 127 : i32
    %sub3A_1424 = vector.broadcast %sub3A_1423 : i32 to vector<16xi32>
    %sub3A_1425 = arith.subi %and3A_1422, %sub3A_1424 : vector<16xi32>
    %and3A_1426 = arith.constant 8388607 : i32
    %and3A_1427 = vector.broadcast %and3A_1426 : i32 to vector<16xi32>
    %and3A_1428 = arith.andi %bitcast3A_1416, %and3A_1427 : vector<16xi32>
    %or3A_1429 = arith.constant 1065353216 : i32
    %or3A_1430 = vector.broadcast %or3A_1429 : i32 to vector<16xi32>
    %or3A_1431 = arith.ori %and3A_1428, %or3A_1430 : vector<16xi32>
    %bitcast3A_1432 = vector.bitcast %or3A_1431 : vector<16xi32> to vector<16xf32>
    %gt3A_1433 = arith.constant 1.500000e+00 : f32
    %gt3A_1434 = vector.broadcast %gt3A_1433 : f32 to vector<16xf32>
    %gt3A_1435 = arith.cmpf ogt, %bitcast3A_1432, %gt3A_1434 : vector<16xf32>
    %mul3A_1436 = arith.constant 5.000000e-01 : f32
    %mul3A_1437 = vector.broadcast %mul3A_1436 : f32 to vector<16xf32>
    %mul3A_1438 = arith.mulf %bitcast3A_1432, %mul3A_1437 : vector<16xf32>
    %select_n3A_1439 = arith.select %gt3A_1435, %mul3A_1438, %bitcast3A_1432 : vector<16xi1>, vector<16xf32>
    %add3A_1440 = arith.constant 1 : i32
    %add3A_1441 = vector.broadcast %add3A_1440 : i32 to vector<16xi32>
    %add3A_1442 = arith.addi %sub3A_1425, %add3A_1441 : vector<16xi32>
    %select_n3A_1443 = arith.select %gt3A_1435, %add3A_1442, %sub3A_1425 : vector<16xi1>, vector<16xi32>
    %sub3A_1444 = arith.constant 1.000000e+00 : f32
    %sub3A_1445 = vector.broadcast %sub3A_1444 : f32 to vector<16xf32>
    %sub3A_1446 = arith.subf %select_n3A_1439, %sub3A_1445 : vector<16xf32>
    %add3A_1447 = arith.constant 1.000000e+00 : f32
    %add3A_1448 = vector.broadcast %add3A_1447 : f32 to vector<16xf32>
    %add3A_1449 = arith.addf %select_n3A_1439, %add3A_1448 : vector<16xf32>
    %div3A_1450 = arith.divf %sub3A_1446, %add3A_1449 : vector<16xf32>
    %mul3A_1451 = arith.mulf %div3A_1450, %div3A_1450 : vector<16xf32>
    %broadcast_in_dim3A_1452 = arith.constant 0.142857149 : f32
    %broadcast_in_dim3A_1453 = vector.broadcast %broadcast_in_dim3A_1452 : f32 to vector<16xf32>
    %mul3A_1454 = arith.mulf %broadcast_in_dim3A_1453, %mul3A_1451 : vector<16xf32>
    %add3A_1455 = arith.constant 2.000000e-01 : f32
    %add3A_1456 = vector.broadcast %add3A_1455 : f32 to vector<16xf32>
    %add3A_1457 = arith.addf %mul3A_1454, %add3A_1456 : vector<16xf32>
    %mul3A_1458 = arith.mulf %add3A_1457, %mul3A_1451 : vector<16xf32>
    %add3A_1459 = arith.constant 0.333333343 : f32
    %add3A_1460 = vector.broadcast %add3A_1459 : f32 to vector<16xf32>
    %add3A_1461 = arith.addf %mul3A_1458, %add3A_1460 : vector<16xf32>
    %mul3A_1462 = arith.mulf %add3A_1461, %mul3A_1451 : vector<16xf32>
    %add3A_1463 = arith.constant 1.000000e+00 : f32
    %add3A_1464 = vector.broadcast %add3A_1463 : f32 to vector<16xf32>
    %add3A_1465 = arith.addf %mul3A_1462, %add3A_1464 : vector<16xf32>
    %convert_element_type3A_1466 = arith.sitofp %select_n3A_1443 : vector<16xi32> to vector<16xf32>
    %mul3A_1467 = arith.constant 0.693147182 : f32
    %mul3A_1468 = vector.broadcast %mul3A_1467 : f32 to vector<16xf32>
    %mul3A_1469 = arith.mulf %convert_element_type3A_1466, %mul3A_1468 : vector<16xf32>
    %mul3A_1470 = arith.constant 2.000000e+00 : f32
    %mul3A_1471 = vector.broadcast %mul3A_1470 : f32 to vector<16xf32>
    %mul3A_1472 = arith.mulf %mul3A_1471, %div3A_1450 : vector<16xf32>
    %mul3A_1473 = arith.mulf %mul3A_1472, %add3A_1465 : vector<16xf32>
    %add3A_1474 = arith.addf %mul3A_1469, %mul3A_1473 : vector<16xf32>
    %get3A_1475 = arith.constant 240 : index
    %get3A_1476 = tpu.vector_load %arg7[%get3A_1475] {strides = array<i32>} : memref<256xf32, #tpu.memory_space<vmem>>, vector<16xf32>,
    %get3A_1477 = arith.constant 240 : index
    %get3A_1478 = tpu.vector_load %arg6[%get3A_1477] {strides = array<i32>} : memref<256xf32, #tpu.memory_space<vmem>>, vector<16xf32>,
    %sub3A_1479 = arith.subf %add3A_1474, %get3A_1478 : vector<16xf32>
    %mul3A_1480 = arith.mulf %get3A_1476, %sub3A_1479 : vector<16xf32>
    %add3A_1481 = arith.addf %add3A_1406, %mul3A_1480 : vector<16xf32>
    %add3A_1482 = arith.addf %add3A_1407, %get3A_1476 : vector<16xf32>
    %broadcast_in_dim3A_1483 = arith.constant true
    %broadcast_in_dim3A_1484 = vector.broadcast %broadcast_in_dim3A_1483 : i1 to vector<16xi1>
    %masked_cumsum3A_1485 = tpu.scan <sum>, %add3A_1481 masked %broadcast_in_dim3A_1484 : vector<16xf32>, vector<16xi1> -> vector<16xf32>
    %broadcast_in_dim3A_1486 = arith.constant 15 : i32
    %broadcast_in_dim3A_1487 = vector.broadcast %broadcast_in_dim3A_1486 : i32 to vector<16x1xi32>
    %gather3A_1488 = vector.shape_cast %broadcast_in_dim3A_1487 : vector<16x1xi32> to vector<16xi32>
    %gather3A_1489 = tpu.dynamic_gather %masked_cumsum3A_1485[%gather3A_1488] in [0] : vector<16xf32>, vector<16xi32> -> vector<16xf32>
    %broadcast_in_dim3A_1490 = arith.constant true
    %broadcast_in_dim3A_1491 = vector.broadcast %broadcast_in_dim3A_1490 : i1 to vector<16xi1>
    %masked_cumsum3A_1492 = tpu.scan <sum>, %add3A_1482 masked %broadcast_in_dim3A_1491 : vector<16xf32>, vector<16xi1> -> vector<16xf32>
    %broadcast_in_dim3A_1493 = arith.constant 15 : i32
    %broadcast_in_dim3A_1494 = vector.broadcast %broadcast_in_dim3A_1493 : i32 to vector<16x1xi32>
    %gather3A_1495 = vector.shape_cast %broadcast_in_dim3A_1494 : vector<16x1xi32> to vector<16xi32>
    %gather3A_1496 = tpu.dynamic_gather %masked_cumsum3A_1492[%gather3A_1495] in [0] : vector<16xf32>, vector<16xi32> -> vector<16xf32>
    %eq3A_1497 = arith.constant 0 : i32
    %eq3A_1498 = vector.broadcast %eq3A_1497 : i32 to vector<16xi32>
    %eq3A_1499 = arith.cmpi eq, %iota3A, %eq3A_1498 : vector<16xi32>
    %eq3A_1500 = arith.constant 1 : i32
    %eq3A_1501 = vector.broadcast %eq3A_1500 : i32 to vector<16xi32>
    %eq3A_1502 = arith.cmpi eq, %iota3A, %eq3A_1501 : vector<16xi32>
    %select_n3A_1503 = arith.select %eq3A_1502, %gather3A_1496, %broadcast_in_dim3A_1 : vector<16xi1>, vector<16xf32>
    %select_n3A_1504 = arith.select %eq3A_1499, %gather3A_1489, %select_n3A_1503 : vector<16xi1>, vector<16xf32>
    %swap3A_1505 = arith.constant 0 : index
    %swap3A_1506 = tpu.vector_load %arg19[%swap3A_1505] {strides = array<i32>} : memref<16xf32, #tpu.memory_space<vmem>>, vector<16xf32>,
    tpu.vector_store %arg19[%swap3A_1505], %select_n3A_1504 {strides = array<i32>} : memref<16xf32, #tpu.memory_space<vmem>>, vector<16xf32>,
    %dma_start3A_1507 = arith.constant 0 : i32
    %dma_start3A_1508 = tpu.memref_slice %arg25[%dma_start3A_1507] : memref<16xf32, #tpu.memory_space<vmem_shared>> -> memref<16xf32, #tpu.memory_space<vmem_shared>>
    tpu.enqueue_indirect_dma source(%arg19 : memref<16xf32, #tpu.memory_space<vmem>>) target(%dma_start3A_1508 : memref<16xf32, #tpu.memory_space<vmem_shared>>) offsets(%arg12 : memref<16xi32, #tpu.memory_space<vmem>>) semaphore(%arg29 : memref<!tpu.dma_semaphore, #tpu.memory_space<semaphore_mem>>) {add = true}
    %dma_wait3A_1509 = arith.constant 0 : i32
    %dma_wait3A_1510 = tpu.memref_slice %arg25[%dma_wait3A_1509] : memref<16xf32, #tpu.memory_space<vmem_shared>> -> memref<16xf32, #tpu.memory_space<vmem_shared>>
    tpu.wait_indirect_dma semaphore(%arg29 : memref<!tpu.dma_semaphore, #tpu.memory_space<semaphore_mem>>) src(%arg19 : memref<16xf32, #tpu.memory_space<vmem>>) dst(%dma_wait3A_1510 : memref<16xf32, #tpu.memory_space<vmem_shared>>)
    %barrier3A_1511 = arith.constant 0 : index
    tpu.barrier barrier_id(%barrier3A_1511)
    %eq3A_1512 = arith.constant 0 : i32
    %eq3A_1513 = arith.cmpi eq, %arg1, %eq3A_1512 : i32
    %convert_element_type3A_1514 = arith.extui %eq3A_1513 : i1 to i32
    %cond3A_1515 = arith.constant 0 : i32
    %cond3A_1516 = arith.cmpi ne, %convert_element_type3A_1514, %cond3A_1515 : i32
    scf.if %cond3A_1516 {
      "tpu.region"() ({
        %run_scoped3A = tpu.sem_alloc : memref<!tpu.dma_semaphore, #tpu.memory_space<semaphore_mem>>
        %dma_start3A_1533 = arith.constant 0 : i32
        %dma_start3A_1534 = tpu.memref_slice %arg13[%dma_start3A_1533] : memref<64xf32, #tpu.memory_space<vmem>> -> memref<16xf32, #tpu.memory_space<vmem>>
        %dma_start3A_1535 = arith.constant 0 : i32
        %dma_start3A_1536 = tpu.memref_slice %arg13[%dma_start3A_1535] : memref<64xf32, #tpu.memory_space<vmem>> -> memref<16xf32, #tpu.memory_space<vmem>>
        tpu.enqueue_dma source(%arg25 : memref<16xf32, #tpu.memory_space<vmem_shared>>) target(%dma_start3A_1536 : memref<16xf32, #tpu.memory_space<vmem>>) target_semaphore(%run_scoped3A : memref<!tpu.dma_semaphore, #tpu.memory_space<semaphore_mem>>)
        %dma_wait3A_1537 = arith.constant 0 : i32
        %dma_wait3A_1538 = tpu.memref_slice %arg13[%dma_wait3A_1537] : memref<64xf32, #tpu.memory_space<vmem>> -> memref<16xf32, #tpu.memory_space<vmem>>
        %dma_wait3A_1539 = arith.constant 0 : i32
        %dma_wait3A_1540 = tpu.memref_slice %arg13[%dma_wait3A_1539] : memref<64xf32, #tpu.memory_space<vmem>> -> memref<16xf32, #tpu.memory_space<vmem>>
        tpu.wait_dma2 semaphore(%run_scoped3A : memref<!tpu.dma_semaphore, #tpu.memory_space<semaphore_mem>>) src(%arg25 : memref<16xf32, #tpu.memory_space<vmem_shared>>) dst(%dma_wait3A_1540 : memref<16xf32, #tpu.memory_space<vmem>>)
        tpu.yield
      }) : () -> ()
      %get3A_1517 = arith.constant 0 : index
      %get3A_1518 = tpu.vector_load %arg13[%get3A_1517] {strides = array<i32>} : memref<64xf32, #tpu.memory_space<vmem>>, vector<16xf32>,
      %broadcast_in_dim3A_1519 = arith.constant 0 : i32
      %broadcast_in_dim3A_1520 = vector.broadcast %broadcast_in_dim3A_1519 : i32 to vector<16x1xi32>
      %gather3A_1521 = vector.shape_cast %broadcast_in_dim3A_1520 : vector<16x1xi32> to vector<16xi32>
      %gather3A_1522 = tpu.dynamic_gather %get3A_1518[%gather3A_1521] in [0] : vector<16xf32>, vector<16xi32> -> vector<16xf32>
      %broadcast_in_dim3A_1523 = arith.constant 1 : i32
      %broadcast_in_dim3A_1524 = vector.broadcast %broadcast_in_dim3A_1523 : i32 to vector<16x1xi32>
      %gather3A_1525 = vector.shape_cast %broadcast_in_dim3A_1524 : vector<16x1xi32> to vector<16xi32>
      %gather3A_1526 = tpu.dynamic_gather %get3A_1518[%gather3A_1525] in [0] : vector<16xf32>, vector<16xi32> -> vector<16xf32>
      %add3A_1527 = arith.constant 1.000000e-07 : f32
      %add3A_1528 = vector.broadcast %add3A_1527 : f32 to vector<16xf32>
      %add3A_1529 = arith.addf %gather3A_1526, %add3A_1528 : vector<16xf32>
      %div3A_1530 = arith.divf %gather3A_1522, %add3A_1529 : vector<16xf32>
      %swap3A_1531 = arith.constant 0 : index
      %swap3A_1532 = tpu.vector_load %arg20[%swap3A_1531] {strides = array<i32>} : memref<16xf32, #tpu.memory_space<vmem>>, vector<16xf32>,
      tpu.vector_store %arg20[%swap3A_1531], %div3A_1530 {strides = array<i32>} : memref<16xf32, #tpu.memory_space<vmem>>, vector<16xf32>,
      "tpu.region"() ({
        %run_scoped3A = tpu.sem_alloc : memref<!tpu.dma_semaphore, #tpu.memory_space<semaphore_mem>>
        tpu.enqueue_dma source(%arg20 : memref<16xf32, #tpu.memory_space<vmem>>) target(%arg5 : memref<16xf32, #tpu.memory_space<hbm>>) target_semaphore(%run_scoped3A : memref<!tpu.dma_semaphore, #tpu.memory_space<semaphore_mem>>)
        tpu.wait_dma2 semaphore(%run_scoped3A : memref<!tpu.dma_semaphore, #tpu.memory_space<semaphore_mem>>) src(%arg20 : memref<16xf32, #tpu.memory_space<vmem>>) dst(%arg5 : memref<16xf32, #tpu.memory_space<hbm>>)
        tpu.yield
      }) : () -> ()
    } else {
    }
    return
  }
}

</mosaic_0001>

<sc_bundles>
// kernel: kernel.3.cloned.1.call-start
scs
__scs_entry_jumppad:
0x0: {  	(pc) =	sbr.rel $0x88, $3  }
0x1: {  	(tag) =	ssettag $0x0;
	lr =	simm.s32 $0x1  }
0x2: {  	[smem:$0x3F9E] =	sst lr;
	_ =	strace $0xD0000000  }
0x3: {  	_ = 	snop  }
0x4: {  	_ = 	snop  }
0x5: {  	_ = 	snop  }
0x6: {  	_ = 	snop  }
0x7: {  	_ = 	snop  }
__scs_overlays_trampoline_lowered:
0x8: {  	[smem:$0x3FAD] =	sst s0  }
0x9: {  	[smem:$0x3FAE] =	sst s1  }
0xa: {  	[smem:$0x3FAF] =	sst s2  }
0xb: {  	[smem:$0x3FB0] =	sst s3  }
0xc: {  	[smem:$0x3FB1] =	sst s4  }
0xd: {  	[smem:$0x3FB2] =	sst s5  }
0xe: {  	[smem:$0x3FB3] =	sst s6  }
0xf: {  	[smem:$0x3FB4] =	sst s7  }
0x10: {  	[smem:$0x3FB5] =	sst s8  }
0x11: {  	[smem:$0x3FB6] =	sst s9;
	s0 =	simm.s32 @!p0 $0x0  }
0x12: {  	s1 =	sld [smem:$0x3F9C];
	s0 =	simm.s32 @p0 $0x1  }
0x13: {  	[smem:$0x3FB7] =	sst s0;
	s0 =	simm.s32 @!p1 $0x0  }
0x14: {  	s2 =	sld [smem:$0x3F9B];
	s0 =	simm.s32 @p1 $0x1  }
0x15: {  	[smem:$0x3FB8] =	sst s0;
	s0 =	simm.s32 @!p2 $0x0  }
0x16: {  	s3 =	sld [smem:$0x3FDB];
	s0 =	simm.s32 @p2 $0x1  }
0x17: {  	s4 =	simm.s32 $0x1BF5;
	[smem:$0x3FBA] =	sst s0  }
0x18: {  	s0 =	sld [smem:$0x3F9D];
	_ =	swait.ge [sflag:s4], $0x0  }
0x19: {  	s7 =	sld [smem:$0x3F9E]  }
0x1a: {  	s8 =	sadd.s32 $0xFFFFE003, lr  }
0x1b: {  	s9 =	sadd.s32 $0xFFFFFEF7, lr;
	s5 =	simm.s32 $0xFFFFFFFF;
	p2 =	slt.u32 s8, $0xFFFFF086  }
0x1c: {  	p1 =	slt.u32 s9, $0xF7A;
	s5 =	simm.s32 @!p2 $0x0  }
0x1d: {  	s5 =	simm.s32 @p1 $0x1;
	p0 =	seq.s32 s7, s2  }
0x1e: {  	s7 =	smul.u32 @!p0 $0xF7A, s2;
	p2 =	seq.s32 @!p0 s5, $0x0  }
0x1f: {  	s9 =	smul.u32 $0xF7A, s1;
	s8 =	simm.s32 @!p0 $0x1BF5;
	p2 =	por !p2, p0  }
0x20: {  	[sflag:s8] =	ssyncset.s32 @!p0 $0xFFFFF086;
	s6 =	sadd.s32 @!p0 s3, s7;
	s7 =	simm.s32 @!p0 $0x108  }
0x21: {  	s3 =	sadd.s32 s3, s9;
	s6 =	sadd.s32 @!p0 $0x88, s6;
	s7 =	simm.s32 @p2 $0x1082  }
0x22: {  	[simem:s7], [sflag:s8] =	dma.local @!p0 [hbm:s6], $0xF7A  }
0x23: {  	s9 =	sor.u32 $0xD0000000, s2;
	s6 =	simm.s32 $0x108;
	_ =	swait.ge @!p0 [sflag:s8], $0x0  }
0x24: {  	s3 =	sadd.s32 $0x88, s3;
	s6 =	simm.s32 @!p1 $0x1082;
	[sflag:s4] =	ssyncset.s32 $0xFFFFF086  }
0x25: {  	[simem:s6], [sflag:s4] =	dma.local [hbm:s3], $0xF7A  }
0x26: {  	[smem:$0x3F9E] =	sst s1;
	(tag) =	ssettag s2;
	_ =	strace s9  }
0x27: {  	s1 =	sld [smem:$0x3FAE]  }
0x28: {  	s2 =	sld [smem:$0x3FAF]  }
0x29: {  	s4 =	sld [smem:$0x3FB1]  }
0x2a: {  	p0 =	seq.s32 s5, $0x0;
	s5 =	sld [smem:$0x3FB2]  }
0x2b: {  	s6 =	sld [smem:$0x3FB3]  }
0x2c: {  	s7 =	sld [smem:$0x3FB4]  }
0x2d: {  	s3 =	simm.s32 $0x108;
	s8 =	sld [smem:$0x3FB5]  }
0x2e: {  	s3 =	simm.s32 @!p0 $0x1082;
	s9 =	sld [smem:$0x3FB6]  }
0x2f: {  	lr =	sadd.s32 s0, s3;
	s0 =	sld [smem:$0x3FAD]  }
0x30: {  	s3 =	sld [smem:$0x3FB0]  }
0x31: {  	[smem:$0x3FB9] =	sst s10  }
0x32: {  	s10 =	sld [smem:$0x3FB7];
	_ =	sdelay $0x3  }
0x33: {  	p0 =	seq.s32 s10, $0x1;
	s10 =	sld [smem:$0x3FB9];
	_ =	sdelay $0x3  }
0x34: {  	[smem:$0x3FB9] =	sst s10  }
0x35: {  	s10 =	sld [smem:$0x3FB8];
	_ =	sdelay $0x3  }
0x36: {  	p1 =	seq.s32 s10, $0x1;
	s10 =	sld [smem:$0x3FB9];
	_ =	sdelay $0x3  }
0x37: {  	[smem:$0x3FB9] =	sst s10  }
0x38: {  	s10 =	sld [smem:$0x3FBA]  }
0x39: {  	_ = 	snop;
	(pc) =	sbr.ind lr, $3  }
0x3a: {  	_ = 	snop  }
0x3b: {  	_ = 	snop  }
0x3c: {  	p2 =	seq.s32 s10, $0x1;
	s10 =	sld [smem:$0x3FB9]  }
0x3d: {  	_ =	shalt  }
0x3e: {  	_ =	shalt  }
0x3f: {  	_ =	shalt  }
0x40: {  	_ =	shalt  }
0x41: {  	_ =	shalt  }
0x42: {  	_ =	shalt  }
0x43: {  	_ =	shalt  }
0x44: {  	_ =	shalt  }
0x45: {  	_ =	shalt  }
0x46: {  	_ =	shalt  }
0x47: {  	_ =	shalt  }
0x48: {  	_ =	shalt  }
0x49: {  	_ =	shalt  }
0x4a: {  	_ =	shalt  }
0x4b: {  	_ =	shalt  }
0x4c: {  	_ =	shalt  }
0x4d: {  	_ =	shalt  }
0x4e: {  	_ =	shalt  }
0x4f: {  	_ =	shalt  }
0x50: {  	_ =	shalt  }
0x51: {  	_ =	shalt  }
0x52: {  	_ =	shalt  }
0x53: {  	_ =	shalt  }
0x54: {  	_ =	shalt  }
0x55: {  	_ =	shalt  }
0x56: {  	_ =	shalt  }
0x57: {  	_ =	shalt  }
0x58: {  	_ =	shalt  }
0x59: {  	_ =	shalt  }
0x5a: {  	_ =	shalt  }
0x5b: {  	_ =	shalt  }
0x5c: {  	_ =	shalt  }
0x5d: {  	_ =	shalt  }
0x5e: {  	_ =	shalt  }
0x5f: {  	_ =	shalt  }
0x60: {  	_ =	shalt  }
0x61: {  	_ =	shalt  }
0x62: {  	_ =	shalt  }
0x63: {  	_ =	shalt  }
0x64: {  	_ =	shalt  }
0x65: {  	_ =	shalt  }
0x66: {  	_ =	shalt  }
0x67: {  	_ =	shalt  }
0x68: {  	_ =	shalt  }
0x69: {  	_ =	shalt  }
0x6a: {  	_ =	shalt  }
0x6b: {  	_ =	shalt  }
0x6c: {  	_ =	shalt  }
0x6d: {  	_ =	shalt  }
0x6e: {  	_ =	shalt  }
0x6f: {  	_ =	shalt  }
0x70: {  	_ =	shalt  }
0x71: {  	_ =	shalt  }
0x72: {  	_ =	shalt  }
0x73: {  	_ =	shalt  }
0x74: {  	_ =	shalt  }
0x75: {  	_ =	shalt  }
0x76: {  	_ =	shalt  }
0x77: {  	_ =	shalt  }
0x78: {  	_ =	shalt  }
0x79: {  	_ =	shalt  }
0x7a: {  	_ =	shalt  }
0x7b: {  	_ =	shalt  }
0x7c: {  	_ =	shalt  }
0x7d: {  	_ =	shalt  }
0x7e: {  	_ =	shalt  }
0x7f: {  	_ =	shalt  }
0x80: {  	_ =	shalt  }
0x81: {  	_ =	shalt  }
0x82: {  	_ =	shalt  }
0x83: {  	_ =	shalt  }
0x84: {  	_ =	shalt  }
0x85: {  	_ =	shalt  }
0x86: {  	_ =	shalt  }
0x87: {  	_ =	shalt  }
.Lfunc_end0:
.L_simem_size_0:
called_computation_lowered:
.L_overlay_start_0:
0x88: {  	s0 =	sld [smem:$0x3FD9]  }
0x89: {  	s1 =	sld [smem:$0x3FFE];
	_ =	sdelay $0x3  }
0x8a: {  	s0 =	sadd.s32 s1, s0  }
0x8b: {  	[smem:$0x3FC5] =	sst s0  }
0x8c: {  	_ = 	snop  }
0x8d: {  	s0 =	sld [smem:$0x3FC9]  }
0x8e: {  	s17 =	sld [smem:$0x3FC8]  }
0x8f: {  	s2 =	sld [smem:$0x3FC7]  }
0x90: {  	s3 =	sld [smem:$0x3FD0];
	(tm) =	ssettm $0x1  }
0x91: {  	s4 =	sld [smem:$0x3FFB];
	_ =	sdelay $0x3  }
0x92: {  	_ =	strace s4  }
0x93: {  	s4 =	sld [smem:$0x3FFC];
	_ =	sdelay $0x3  }
0x94: {  	_ =	strace s4  }
0x95: {  	s4 =	sld [smem:$0x3FFD];
	_ =	sdelay $0x3  }
0x96: {  	_ =	strace s4  }
0x97: {  	_ =	strace $0x8FFFFFFF  }
0x98: {  	s18 =	sld [smem:$0x3FDB];
	_ =	sdelay $0x1  }
0x99: {  	s5 =	simm.s32 $_scs_section_size  }
0x9a: {  	s6 =	simm.s32 $_size__tile_overlayer_lowered;
	s7 =	simm.s32 $_tile_overlayer_lowered  }
0x9b: {  	s21 =	simm.s32 $0x1BFF;
	s20 =	sshll.u32 s7, $0x1;
	s4 =	sadd.s32 s5, s18  }
0x9c: {  	s8 =	simm.s32 $0x0;
	s19 =	sshll.u32 s6, $0x1;
	s6 =	sadd.s32 s20, s4  }
0x9d: {  	[timem:s8], [sflag:s21] =	dma.local [hbm:s6], s19  }
0x9e: {  	_ =	swait.ge [sflag:s21], s19  }
0x9f: {  	s5 =	ssub.s32 $0x0, s19;
	[sflag:s21] =	ssyncset.done $0x0  }
0xa0: {  	[sflag:s21] =	ssyncadd.s32 s5;
	_ =	sdelay $0x1  }
0xa1: {  	s22 =	simm.s32 $0x1B8B  }
0xa2: {  	_ =	swait.ge [sflag:s22], $0x1  }
0xa3: {  	[sflag:s22] =	ssyncset.done $0x0  }
0xa4: {  	s23 =	simm.s32 $0x1B8E;
	[sflag:s22] =	ssyncadd.s32 $0xFFFFFFFF  }
0xa5: {  	s24 =	simm.s32 $execute0_lowered;
	[smem:$0x3FD2] =	sst s23  }
0xa6: {  	s5 =	sshll.u32 s24, $0x1;
	_ =	strace $0x80000046;
	[dreg:$0x1] =	wrdreg $0xFFFFFFFF  }
0xa7: {  	s25 =	simm.s32 $_size_execute0_lowered;
	s4 =	sadd.s32 s4, s5;
	[dreg:$0x0] =	wrdreg $0x0  }
0xa8: {  	s5 =	sshll.u32 s25, $0x1;
	[dreg:$0x2] =	wrdreg s4  }
0xa9: {  	[dreg:$0x3] =	wrdreg s5  }
0xaa: {  	[dreg:$0x4] =	wrdreg $0xC0  }
0xab: {  	_ =	task [dreg:s8], $0x5FFFF  }
0xac: {  	[dreg:$0x1] =	wrdreg $0xFFFFFFFF  }
0xad: {  	[dreg:$0x0] =	wrdreg $0x60  }
0xae: {  	[dreg:$0x2] =	wrdreg s0  }
0xaf: {  	[dreg:$0x3] =	wrdreg s17  }
0xb0: {  	[dreg:$0x4] =	wrdreg s2  }
0xb1: {  	[dreg:$0x5] =	wrdreg s3  }
0xb2: {  	[dreg:$0x6] =	wrdreg $0xC800  }
0xb3: {  	[dreg:$0x7] =	wrdreg $0xCC00  }
0xb4: {  	[dreg:$0x8] =	wrdreg $0xD500  }
0xb5: {  	[dreg:$0x9] =	wrdreg $0xD000  }
0xb6: {  	[dreg:$0xa] =	wrdreg $0xD400  }
0xb7: {  	[dreg:$0xb] =	wrdreg $0x9  }
0xb8: {  	_ =	task.clear_ibuf [dreg:s8], $0xCFFFF;
	_ =	strace $0x90000046  }
0xb9: {  	s26 =	simm.s32 $0x9;
	_ =	strace $0x80000048  }
0xba: {  	_ =	swait.ge [sflag:s26], $0x1  }
0xbb: {  	[sflag:s26] =	ssyncadd.s32 $0xFFFFFFFF  }
0xbc: {  	_ =	strace $0x90000048  }
0xbd: {  	_ =	sfence  }
0xbe: {  	s28 =	sld [smem:$0x0];
	_ =	sdelay $0x1  }
0xbf: {  	s29 =	srdreg.scid  }
0xc0: {  	s30 =	sshll.u32 s29, $0xD;
	s31 =	sshrl.u32 s29, $0x2  }
0xc1: {  	s1 =	sand.u32 $0x1, s29;
	s2 =	sand.u32 $0x4000, s30;
	s0 =	sadd.s32 s31, s28  }
0xc2: {  	s1 =	sor.u32 s2, s1;
	s0 =	sshll.u32 s0, $0x11  }
0xc3: {  	s0 =	sor.u32 s0, s1  }
0xc4: {  	s0 =	sadd.s32 $0x8F2B, s0  }
0xc5: {  	[sflag:s0] =	ssyncadd.remote.s32 $0x1  }
0xc6: {  	_ =	sfence.sel $0xFFFF  }
0xc7: {  	[dreg:$0x0] =	wrdreg $0xFFFFFFFF;
	(pc) =	sbr.abs _section_cstart, $3  }
0xc8: {  	[dreg:$0x1] =	wrdreg $0xFFFFFFFF  }
0xc9: {  	_ =	task.clear_ibuf [dreg:s8], $0x2FFFF;
	_ =	strace $0x9FFFFFFF  }
0xca: {  	(tm) =	ssettm $0x7FFFFFFF  }
0xcb: {  	_ =	shalt  }
tec
execute0_lowered:
.L_overlay_start_1:
0x0: {  	(tag) =	ssettag $0x1  }
0x1: {  	s3 =	rddreg [dreg:$0x0]  }
0x2: {  	s4 =	rddreg [dreg:$0x1]  }
0x3: {  	s5 =	rddreg [dreg:$0x2]  }
0x4: {  	s1 =	rddreg [dreg:$0x3]  }
0x5: {  	s11 =	rddreg [dreg:$0x4]  }
0x6: {  	s7 =	rddreg [dreg:$0x5]  }
0x7: {  	s2 =	rddreg [dreg:$0x6]  }
0x8: {  	s9 =	rddreg [dreg:$0x7]  }
0x9: {  	s8 =	rddreg [dreg:$0x8];
	s6 =	simm.s32 $0x0;
	s10 =	stileid.u32  }
0xa: {  	[smem:$0x7FF] =	sst s6;
	s14 =	sshll.u32 s10, $0x5  }
0xb: {  	s0 =	rddreg [dreg:$0x9];
	_ =	strace $0x80000047;
	s3 =	sadd.s32 s3, s14  }
0xc: {  	[tilespmem:s6], [sflag:$0x1] =	stream.linear.gather [hbm4b:s3+s6], $0x100, $0x38;
	[tilespmem:$0xD58] =	vst v63  }
0xd: {  	s12 =	simm.s32 $0x200;
	s24 =	sadd.s32 s5, s14  }
0xe: {  	[tilespmem:s12], [sflag:$0x2] =	stream.linear.gather [hbm4b:s24+s6], $0x80, $0x38;
	[tilespmem:$0xD58] =	vst v63  }
0xf: {  	s13 =	simm.s32 $0x280;
	s3 =	sadd.s32 $0x10, s24  }
0x10: {  	[tilespmem:s13], [sflag:$0x2] =	stream.linear.gather [hbm4b:s3+s6], $0x80, $0x38;
	[tilespmem:$0xD58] =	vst v63  }
0x11: {  	s26 =	simm.s32 $0x100;
	s25 =	sadd.s32 s4, s14  }
0x12: {  	v0 =	vimm.f32 $0.0e+00;
	[tilespmem:s26], [sflag:$0x3] =	stream.linear.gather [hbm4b:s25+s6], $0x100, $0x38;
	[tilespmem:$0xD58] =	vst v63  }
0x13: {  	[tilespmem:$0x480] =	vst v0  }
0x14: {  	[tilespmem:$0x490] =	vst v0  }
0x15: {  	[tilespmem:$0x4A0] =	vst v0  }
0x16: {  	v1 =	vlaneseq.u32;
	s28 =	sshll.u32 s10, $0x6;
	[tilespmem:$0x4B0] =	vst v0  }
0x17: {  	s30 =	simm.s32 $0x480;
	s29 =	sadd.s32 s28, s11;
	[tilespmem:$0x400] =	vst v1  }
0x18: {  	[spmem:s29] =	stream.linear.scatter [tilespmem:s30], [sflag:$0x4], $0x40, $0x38;
	[tilespmem:$0xD58] =	vst v63  }
0x19: {  	p0 =	sne.s32 s10, $0x0;
	s15 =	sadd.s32 s28, s7  }
0x1a: {  	[spmem:s15] =	stream.linear.scatter [tilespmem:s30], [sflag:$0x4], $0x40, $0x38;
	[tilespmem:$0xD58] =	vst v63  }
0x1b: {  	s4 =	simm.s32 @!p0 $0x480;
	s3 =	simm.s32 @!p0 $0x5  }
0x1c: {  	[spmem:s2] =	stream.linear.scatter @!p0 [tilespmem:s4], [sflag:$0x5], $0x10, $0x38;
	[tilespmem:$0xD58] =	vst v63  }
0x1d: {  	_ =	swait.ge @!p0 [sflag:s3], $0x10  }
0x1e: {  	[sflag:s3] =	ssyncset.done @!p0 $0x0  }
0x1f: {  	s5 =	simm.s32 $0x4;
	[sflag:s3] =	ssyncadd.s32 @!p0 $0xFFFFFFF0  }
0x20: {  	_ =	swait.ge [sflag:s5], $0x40  }
0x21: {  	[sflag:s5] =	ssyncset.done $0x0  }
0x22: {  	[sflag:s5] =	ssyncadd.s32 $0xFFFFFFC0  }
0x23: {  	_ =	swait.ge [sflag:s5], $0x40  }
0x24: {  	[sflag:s5] =	ssyncset.done $0x0  }
0x25: {  	[sflag:s5] =	ssyncadd.s32 $0xFFFFFFC0  }
0x26: {  	s31 =	simm.s32 $0x1;
	[bflag:$0x0] =	sbarrier.arrive $0xFFFF  }
0x27: {  	_ =	swait.ge [sflag:s31], $0x100  }
0x28: {  	[sflag:s31] =	ssyncset.done $0x0  }
0x29: {  	[sflag:s31] =	ssyncadd.s32 $0xFFFFFF00  }
0x2a: {  	v58 =	vld [tilespmem:$0x0]  }
0x2b: {  	v2 =	vld [tilespmem:$0x10]  }
0x2c: {  	v3 =	vld [tilespmem:$0x20]  }
0x2d: {  	v4 =	vld [tilespmem:$0x30]  }
0x2e: {  	v5 =	vld [tilespmem:$0x40]  }
0x2f: {  	v6 =	vld [tilespmem:$0x50];
	v0 =	vmul.f32 $1.442695020e+00, v58  }
0x30: {  	v7 =	vld [tilespmem:$0x60];
	v2 =	vmul.f32 $1.442695020e+00, v2  }
0x31: {  	v60 =	vld [tilespmem:$0x70];
	v59 =	vmul.f32 $1.442695020e+00, v3;
	(erf) = vpow2.f32 v0  }
0x32: {  	v62 =	vld [tilespmem:$0x80];
	v61 =	vmul.f32 $1.442695020e+00, v4;
	(erf) = vpow2.f32 v2  }
0x33: {  	v9 =	vld [tilespmem:$0x90];
	v63 =	vmul.f32 $1.442695020e+00, v5;
	(erf) = vpow2.f32 v59  }
0x34: {  	v11 =	vld [tilespmem:$0xA0];
	v10 =	vmul.f32 $1.442695020e+00, v6;
	(erf) = vpow2.f32 v61  }
0x35: {  	v13 =	vld [tilespmem:$0xB0];
	v12 =	vmul.f32 $1.442695020e+00, v7;
	(erf) = vpow2.f32 v63  }
0x36: {  	v15 =	vld [tilespmem:$0xC0];
	v14 =	vmul.f32 $1.442695020e+00, v60;
	(erf) = vpow2.f32 v10  }
0x37: {  	v17 =	vld [tilespmem:$0xD0];
	v16 =	vmul.f32 $1.442695020e+00, v62;
	(erf) = vpow2.f32 v12  }
0x38: {  	v19 =	vld [tilespmem:$0xE0];
	v18 =	vmul.f32 $1.442695020e+00, v9;
	(erf) = vpow2.f32 v14  }
0x39: {  	v21 =	vld [tilespmem:$0xF0];
	v20 =	vmul.f32 $1.442695020e+00, v11;
	(erf) = vpow2.f32 v16  }
0x3a: {  	v22 =	vmul.f32 $1.442695020e+00, v13;
	v8 =	vpop (erf);
	(erf) = vpow2.f32 v18  }
0x3b: {  	v24 =	vmul.f32 $1.442695020e+00, v15;
	[tilespmem:$0x300] =	vst v8;
	v23 =	vpop (erf);
	(erf) = vpow2.f32 v20  }
0x3c: {  	v26 =	vmul.f32 $1.442695020e+00, v17;
	[tilespmem:$0x310] =	vst v23;
	v25 =	vpop (erf);
	(erf) = vpow2.f32 v22  }
0x3d: {  	v28 =	vmul.f32 $1.442695020e+00, v19;
	[tilespmem:$0x320] =	vst v25;
	v27 =	vpop (erf);
	(erf) = vpow2.f32 v24  }
0x3e: {  	v30 =	vmul.f32 $1.442695020e+00, v21;
	[tilespmem:$0x330] =	vst v27;
	v29 =	vpop (erf);
	(erf) = vpow2.f32 v26  }
0x3f: {  	[tilespmem:$0x340] =	vst v29;
	v31 =	vpop (erf);
	(erf) = vpow2.f32 v28  }
0x40: {  	[tilespmem:$0x350] =	vst v31;
	v32 =	vpop (erf);
	(erf) = vpow2.f32 v30  }
0x41: {  	v33 =	vpop (erf);
	[tilespmem:$0x360] =	vst v32  }
0x42: {  	v34 =	vpop (erf);
	[tilespmem:$0x370] =	vst v33  }
0x43: {  	v35 =	vpop (erf);
	[tilespmem:$0x380] =	vst v34  }
0x44: {  	v36 =	vpop (erf);
	[tilespmem:$0x390] =	vst v35  }
0x45: {  	v37 =	vpop (erf);
	[tilespmem:$0x3A0] =	vst v36  }
0x46: {  	v38 =	vpop (erf);
	[tilespmem:$0x3B0] =	vst v37  }
0x47: {  	v39 =	vpop (erf);
	[tilespmem:$0x3C0] =	vst v38  }
0x48: {  	[tilespmem:$0x3D0] =	vst v39;
	v40 =	vpop (erf)  }
0x49: {  	[tilespmem:$0x3E0] =	vst v40;
	v41 =	vpop (erf)  }
0x4a: {  	s16 =	simm.s32 $0x2;
	[tilespmem:$0x3F0] =	vst v41  }
0x4b: {  	_ =	swait.ge [sflag:s16], $0x80  }
0x4c: {  	[sflag:s16] =	ssyncset.done $0x0  }
0x4d: {  	[sflag:s16] =	ssyncadd.s32 $0xFFFFFF80  }
0x4e: {  	_ =	swait.ge [sflag:s16], $0x80  }
0x4f: {  	[sflag:s16] =	ssyncset.done $0x0  }
0x50: {  	s18 =	simm.s32 $0x80;
	s17 =	simm.s32 $0x300;
	[sflag:s16] =	ssyncadd.s32 $0xFFFFFF80  }
0x51: {  	[spmem:s11] =	stream.indirect.scatter.add.f32 [tilespmem:s17], [sflag:$0x4], $0x1, s12, s18, $0xb8;
	[tilespmem:$0xD58] =	vst v63  }
0x52: {  	s19 =	simm.s32 $0x380  }
0x53: {  	[spmem:s7] =	stream.indirect.scatter.add.f32 [tilespmem:s19], [sflag:$0x4], $0x1, s13, s18, $0xb8;
	[tilespmem:$0xD58] =	vst v63  }
0x54: {  	_ =	swait.ge [sflag:s5], $0x80  }
0x55: {  	[sflag:s5] =	ssyncset.done $0x0  }
0x56: {  	[sflag:s5] =	ssyncadd.s32 $0xFFFFFF80  }
0x57: {  	_ =	swait.ge [sflag:s5], $0x80  }
0x58: {  	[sflag:s5] =	ssyncset.done $0x0  }
0x59: {  	[sflag:s5] =	ssyncadd.s32 $0xFFFFFF80  }
0x5a: {  	s20 =	simm.s32 $0x500;
	[bflag:$0x0] =	sbarrier.arrive $0xFFFF  }
0x5b: {  	[tilespmem:s20], [sflag:$0x4] =	stream.linear.gather [spmem:s29], $0x40, $0x38;
	[tilespmem:$0xD58] =	vst v63  }
0x5c: {  	s21 =	simm.s32 $0x580  }
0x5d: {  	[tilespmem:s21], [sflag:$0x4] =	stream.linear.gather [spmem:s15], $0x40, $0x38;
	[tilespmem:$0xD58] =	vst v63  }
0x5e: {  	_ =	swait.ge [sflag:s5], $0x40  }
0x5f: {  	[sflag:s5] =	ssyncset.done $0x0  }
0x60: {  	[sflag:s5] =	ssyncadd.s32 $0xFFFFFFC0  }
0x61: {  	_ =	swait.ge [sflag:s5], $0x40  }
0x62: {  	[sflag:s5] =	ssyncset.done $0x0  }
0x63: {  	[sflag:s5] =	ssyncadd.s32 $0xFFFFFFC0  }
0x64: {  	v42 =	vld [tilespmem:$0x530]  }
0x65: {  	v43 =	vld [tilespmem:$0x5B0]  }
0x66: {  	v44 =	vld [tilespmem:$0x520]  }
0x67: {  	v45 =	vld [tilespmem:$0x5A0]  }
0x68: {  	v46 =	vld [tilespmem:$0x510]  }
0x69: {  	v48 =	vmul.u32 $0xFFFFFFFF, v1;
	v47 =	vld [tilespmem:$0x590]  }
0x6a: {  	v49 =	vld [tilespmem:$0x500];
	v0 =	vadd.f32 v43, v42  }
0x6b: {  	v7 =	vadd.s32 $0xF, v48;
	v50 =	vld [tilespmem:$0x580]  }
0x6c: {  	v3 =	vadd.f32 v45, v44;
	v0 =	vperm.xlane v0, v7;
	_ =	sdelay $0x1  }
0x6d: {  	v51 =	vadd.f32 v47, v46;
	v52 =	vperm.xlane v3, v7;
	(xrf2) =	vadd.scan.msk.f32 $0xffff, v0;
	_ =	sdelay $0x1  }
0x6e: {  	v2 =	vadd.f32 v50, v49;
	v53 =	vperm.xlane v51, v7;
	(xrf2) =	vadd.scan.msk.f32 $0xffff, v52;
	_ =	sdelay $0x1  }
0x6f: {  	v54 =	vperm.xlane v2, v7;
	(xrf2) =	vadd.scan.msk.f32 $0xffff, v53;
	_ =	sdelay $0x1  }
0x70: {  	(xrf2) =	vadd.scan.msk.f32 $0xffff, v54;
	_ =	sdelay $0x3  }
0x71: {  	v0 =	vimm.s32 $0xF;
	v55, _, _ =	vpop (xrf2)  }
0x72: {  	v56 =	vperm.xlane v55, v0  }
0x73: {  	v57, _, _ =	vpop (xrf2)  }
0x74: {  	v9 =	vperm.xlane v57, v0;
	v6 =	vadd.f32 $0.0e+00, v56  }
0x75: {  	v5 =	vperm.xlane v55, v7;
	v10, _, _ =	vpop (xrf2)  }
0x76: {  	[tilespmem:$0x500] =	vst v2;
	v58 =	vperm.xlane v57, v7;
	v60 =	vperm.xlane v10, v0;
	v59 =	vadd.f32 v9, v6  }
0x77: {  	[tilespmem:$0x510] =	vst v51;
	v61 =	vadd.f32 $0.0e+00, v5;
	v62 =	vperm.xlane v10, v7;
	v63, _, _ =	vpop (xrf2)  }
0x78: {  	[tilespmem:$0x520] =	vst v3;
	v13 =	vperm.xlane v63, v7;
	v2 =	vadd.f32 v58, v6;
	v12 =	vadd.f32 v60, v59  }
0x79: {  	[tilespmem:$0x530] =	vst v61;
	v14 =	vadd.f32 v62, v59  }
0x7a: {  	v16 =	vperm.xlane v63, v0;
	[tilespmem:$0x520] =	vst v2;
	v15 =	vadd.f32 v13, v12  }
0x7b: {  	[tilespmem:$0x510] =	vst v14  }
0x7c: {  	s22 =	sadd.s32 s28, s9;
	s6 =	sshrl.u32 s28, $0x2;
	v17 =	vadd.f32 v16, v12;
	[tilespmem:$0x500] =	vst v15  }
0x7d: {  	[spmem:s22] =	stream.linear.scatter [tilespmem:s20], [sflag:$0x4], $0x40, $0x38;
	[tilespmem:$0xD58] =	vst v63  }
0x7e: {  	s24 =	simm.s32 $0xB80;
	s23 =	sadd.s32 s6, s8;
	[tilespmem:$0xB80] =	vst v17  }
0x7f: {  	[spmem:s23] =	stream.linear.scatter [tilespmem:s24], [sflag:$0x4], $0x10, $0x38;
	[tilespmem:$0xD58] =	vst v63  }
0x80: {  	_ =	swait.ge [sflag:s5], $0x40  }
0x81: {  	[sflag:s5] =	ssyncset.done $0x0  }
0x82: {  	[sflag:s5] =	ssyncadd.s32 $0xFFFFFFC0  }
0x83: {  	_ =	swait.ge [sflag:s5], $0x10  }
0x84: {  	[sflag:s5] =	ssyncset.done $0x0  }
0x85: {  	[sflag:s5] =	ssyncadd.s32 $0xFFFFFFF0  }
0x86: {  	s25 =	simm.s32 $0x600;
	[bflag:$0x0] =	sbarrier.arrive $0xFFFF  }
0x87: {  	v1 =	vmul.u32 $0x10, v1;
	[tilespmem:s25], [sflag:$0x4] =	stream.linear.gather [spmem:s9], $0x400, $0x38;
	[tilespmem:$0xD58] =	vst v63  }
0x88: {  	s26 =	simm.s32 $0xA00  }
0x89: {  	[tilespmem:s26], [sflag:$0x1] =	stream.linear.gather [spmem:s8], $0x100, $0x38;
	[tilespmem:$0xD58] =	vst v63  }
0x8a: {  	_ =	swait.ge [sflag:s31], $0x100  }
0x8b: {  	[sflag:s31] =	ssyncset.done $0x0  }
0x8c: {  	[sflag:s31] =	ssyncadd.s32 $0xFFFFFF00  }
0x8d: {  	v1 =	vld.idx.msk [tilespmem:v1+s26+$0x0], $0xffff;
	_ =	sdelay $0x4  }
0x8e: {  	v1 =	vperm.xlane v1, v7;
	_ =	sdelay $0x1  }
0x8f: {  	(xrf2) =	vadd.scan.msk.f32 $0xffff, v1;
	_ =	sdelay $0x9  }
0x90: {  	v18, _, _ =	vpop (xrf2)  }
0x91: {  	v1 =	vsub.f32 v18, v1;
	_ =	sdelay $0x1  }
0x92: {  	v1 =	vperm.xlane v1, v7;
	_ =	sdelay $0x1  }
0x93: {  	[tilespmem:$0xB00] =	vst v1  }
0x94: {  	_ =	swait.ge [sflag:s5], $0x400  }
0x95: {  	[sflag:s5] =	ssyncset.done $0x0  }
0x96: {  	s28 =	simm.s32 $0x3;
	[sflag:s5] =	ssyncadd.s32 $0xFFFFFC00  }
0x97: {  	_ =	swait.ge [sflag:s28], $0x100  }
0x98: {  	[sflag:s28] =	ssyncset.done $0x0  }
0x99: {  	[sflag:s28] =	ssyncadd.s32 $0xFFFFFF00  }
0x9a: {  	v19 =	vld [tilespmem:$0x200];
	_ =	sdelay $0x4  }
0x9b: {  	v20 =	vshra.s32 v19, $0x6;
	_ =	sdelay $0x2  }
0x9c: {  	v21 =	vld [tilespmem:$0x210]  }
0x9d: {  	s29 =	simm.s32 $0xB00;
	v1 =	vld.idx.msk [tilespmem:v19+s25+$0x0], $0xffff  }
0x9e: {  	v2 =	vld.idx.msk [tilespmem:v20+s29+$0x0], $0xffff;
	_ =	sdelay $0x3  }
0x9f: {  	v24 =	vld [tilespmem:$0x220];
	v22 =	vshra.s32 v21, $0x6  }
0xa0: {  	v1 =	vadd.f32 v2, v1;
	_ =	sdelay $0x1  }
0xa1: {  	v28 =	vld [tilespmem:$0x230];
	v2 =	vand.u32 $0x7FFFFF, v1  }
0xa2: {  	v3 =	vld.idx.msk [tilespmem:v21+s25+$0x0], $0xffff;
	v2 =	vor.u32 $0x3F800000, v2  }
0xa3: {  	v26 =	vshra.s32 v24, $0x6;
	v4 =	vld.idx.msk [tilespmem:v22+s29+$0x0], $0xffff;
	v23 =	vmul.f32 $5.000000000e-01, v2  }
0xa4: {  	v12 =	vld [tilespmem:$0x240];
	vm2 =	vgt.f32 v2, $1.500000000e+00  }
0xa5: {  	v16 =	vld [tilespmem:$0x250];
	v2 =	vsel vm2, v23, v2  }
0xa6: {  	v54 =	vld [tilespmem:$0x260];
	v25 =	vadd.f32 $1.000000000e+00, v2  }
0xa7: {  	v5 =	vld.idx.msk [tilespmem:v24+s25+$0x0], $0xffff  }
0xa8: {  	v6 =	vld.idx.msk [tilespmem:v26+s29+$0x0], $0xffff;
	v3 =	vadd.f32 v4, v3;
	(erf) = vrcp.f32 v25  }
0xa9: {  	v31 =	vshra.s32 v28, $0x6;
	v26 =	vld [tilespmem:$0x270]  }
0xaa: {  	v4 =	vand.u32 $0x7FFFFF, v3  }
0xab: {  	v4 =	vor.u32 $0x3F800000, v4  }
0xac: {  	v35 =	vshra.s32 v12, $0x6;
	v27 =	vmul.f32 $5.000000000e-01, v4  }
0xad: {  	v45 =	vshra.s32 v16, $0x6;
	v5 =	vadd.f32 v6, v5;
	vm1 =	vgt.f32 v4, $1.500000000e+00  }
0xae: {  	v59 =	vshra.s32 v54, $0x6;
	v6 =	vld.idx.msk [tilespmem:v31+s29+$0x0], $0xffff;
	v31 =	vshra.s32 v26, $0x6;
	v4 =	vsel vm1, v27, v4  }
0xaf: {  	v8 =	vld.idx.msk [tilespmem:v28+s25+$0x0], $0xffff;
	v33 =	vand.u32 $0x7FFFFF, v5;
	v13 =	vshrl.u32 v1, $0x17;
	v7 =	vadd.f32 $1.000000000e+00, v4  }
0xb0: {  	v1 =	vimm.s32 $0xFFFFFF81;
	v3 =	vshrl.u32 v3, $0x17;
	v2 =	vadd.f32 $-1.000000000e+00, v2  }
0xb1: {  	v5 =	vshrl.u32 v5, $0x17;
	v10 =	vor.u32 $0x3F800000, v33;
	v29 =	vpop (erf);
	(erf) = vrcp.f32 v7  }
0xb2: {  	v13 =	vand.u32 $0xFF, v13;
	v3 =	vand.u32 $0xFF, v3;
	v2 =	vmul.f32 v29, v2  }
0xb3: {  	v5 =	vand.u32 $0xFF, v5;
	v11 =	vmul.f32 $5.000000000e-01, v10;
	vm0 =	vgt.f32 v10, $1.500000000e+00  }
0xb4: {  	v34 =	vsel vm2, $0xFFFFFF82, v1;
	v6 =	vadd.f32 v6, v8;
	v30 =	vmul.f32 v2, v2  }
0xb5: {  	v43 =	vsel vm1, $0xFFFFFF82, v1;
	v57 =	vsel vm0, $0xFFFFFF82, v1;
	v10 =	vsel vm0, v11, v10  }
0xb6: {  	v13 =	vadd.s32 v13, v34;
	v3 =	vadd.s32 v3, v43;
	v32 =	vmul.f32 $1.428571490e-01, v30  }
0xb7: {  	v5 =	vadd.s32 v5, v57;
	v4 =	vadd.f32 $-1.000000000e+00, v4;
	v11 =	vadd.f32 $1.000000000e+00, v10  }
0xb8: {  	v37 =	vcvt.s32.f32 v13;
	v38 =	vand.u32 $0x7FFFFF, v6;
	v9 =	vadd.f32 $2.000000030e-01, v32  }
0xb9: {  	v41 =	vadd.f32 $-1.000000000e+00, v10;
	v3 =	vcvt.s32.f32 v3;
	v5 =	vcvt.s32.f32 v5  }
0xba: {  	v12 =	vld.idx.msk [tilespmem:v12+s25+$0x0], $0xffff;
	v6 =	vshrl.u32 v6, $0x17;
	v13 =	vor.u32 $0x3F800000, v38;
	v9 =	vmul.f32 v9, v30;
	v14 =	vpop (erf)  }
0xbb: {  	v6 =	vand.u32 $0xFF, v6;
	(erf) = vrcp.f32 v11;
	v11 =	vld.idx.msk [tilespmem:v35+s29+$0x0], $0xffff;
	v4 =	vmul.f32 v14, v4  }
0xbc: {  	v8 =	vmul.f32 $6.931471820e-01, v37;
	v39 =	vmul.f32 $5.000000000e-01, v13;
	v9 =	vadd.f32 $3.333333430e-01, v9  }
0xbd: {  	vm12 =	vgt.f32 v13, $1.500000000e+00;
	v3 =	vmul.f32 $6.931471820e-01, v3;
	v15 =	vmul.f32 v4, v4  }
0xbe: {  	v46 =	vld [tilespmem:$0x100];
	v42 =	vsel vm12, v39, v13;
	v29 =	vsel vm12, $0xFFFFFF82, v1;
	v7 =	vmul.f32 v9, v30  }
0xbf: {  	v16 =	vld.idx.msk [tilespmem:v16+s25+$0x0], $0xffff;
	v6 =	vadd.s32 v6, v29;
	v2 =	vadd.f32 v2, v2;
	v36 =	vmul.f32 $1.428571490e-01, v15  }
0xc0: {  	v6 =	vcvt.s32.f32 v6;
	v11 =	vadd.f32 v11, v12;
	v12 =	vld.idx.msk [tilespmem:v45+s29+$0x0], $0xffff;
	v7 =	vadd.f32 $1.000000000e+00, v7  }
0xc1: {  	v5 =	vmul.f32 $6.931471820e-01, v5;
	v17 =	vadd.f32 $1.000000000e+00, v42;
	v35 =	vld [tilespmem:$0x280];
	v9 =	vadd.f32 $2.000000030e-01, v36  }
0xc2: {  	v18 =	vld [tilespmem:$0x0];
	v10 =	vadd.f32 $-1.000000000e+00, v42;
	v6 =	vmul.f32 $6.931471820e-01, v6;
	v2 =	vmul.f32 v7, v2  }
0xc3: {  	v48 =	vld [tilespmem:$0x110];
	v4 =	vadd.f32 v4, v4;
	v49 =	vand.u32 $0x7FFFFF, v11;
	v9 =	vmul.f32 v9, v15  }
0xc4: {  	v11 =	vshrl.u32 v11, $0x17;
	v44 =	vpop (erf);
	(erf) = vrcp.f32 v17;
	v2 =	vadd.f32 v2, v8  }
0xc5: {  	v12 =	vadd.f32 v12, v16;
	v40 =	vadd.f32 $3.333333430e-01, v9;
	v9 =	vmul.f32 v44, v41  }
0xc6: {  	v11 =	vand.u32 $0xFF, v11;
	v8 =	vadd.f32 $0.0e+00, v46;
	v41 =	vshra.s32 v35, $0x6  }
0xc7: {  	v2 =	vsub.f32 v2, v18;
	v62 =	vand.u32 $0x7FFFFF, v12;
	v47 =	vmul.f32 v9, v9  }
0xc8: {  	v8 =	vadd.f32 v48, v8;
	v7 =	vmul.f32 v40, v15;
	v15 =	vor.u32 $0x3F800000, v49  }
0xc9: {  	v61 =	vld [tilespmem:$0x120];
	v12 =	vshrl.u32 v12, $0x17;
	v51 =	vmul.f32 $5.000000000e-01, v15;
	v19 =	vmul.f32 $1.428571490e-01, v47  }
0xca: {  	v9 =	vadd.f32 v9, v9;
	v18 =	vor.u32 $0x3F800000, v62;
	vm13 =	vgt.f32 v15, $1.500000000e+00  }
0xcb: {  	v7 =	vadd.f32 $1.000000000e+00, v7;
	v53 =	vsel vm13, v51, v15;
	v52 =	vadd.f32 $2.000000030e-01, v19  }
0xcc: {  	v2 =	vmul.f32 v2, v46;
	v23 =	vmul.f32 $5.000000000e-01, v18;
	v56 =	vadd.f32 $1.000000000e+00, v53  }
0xcd: {  	v50 =	vld [tilespmem:$0x10];
	vm14 =	vgt.f32 v18, $1.500000000e+00;
	v4 =	vmul.f32 v7, v4;
	v58 =	vpop (erf);
	v55 =	vmul.f32 v52, v47  }
0xce: {  	v8 =	vadd.f32 v61, v8;
	(erf) = vrcp.f32 v56;
	v10 =	vmul.f32 v58, v10  }
0xcf: {  	v39 =	vld [tilespmem:$0x130];
	v40 =	vsel vm13, $0xFFFFFF82, v1;
	v57 =	vsel vm14, $0xFFFFFF82, v1;
	v15 =	vadd.f32 $3.333333430e-01, v55  }
0xd0: {  	v11 =	vadd.s32 v11, v40;
	v7 =	vld.idx.msk [tilespmem:v54+s25+$0x0], $0xffff;
	v3 =	vadd.f32 v4, v3;
	v60 =	vmul.f32 v10, v10  }
0xd1: {  	v2 =	vadd.f32 $0.0e+00, v2;
	v11 =	vcvt.s32.f32 v11;
	v13 =	vmul.f32 v15, v47;
	v15 =	vld.idx.msk [tilespmem:v59+s29+$0x0], $0xffff  }
0xd2: {  	v25 =	vsel vm14, v23, v18;
	v3 =	vsub.f32 v3, v50;
	v20 =	vmul.f32 $1.428571490e-01, v60;
	v47 =	vld [tilespmem:$0x290]  }
0xd3: {  	v28 =	vadd.f32 $1.000000000e+00, v25;
	v4 =	vadd.f32 $-1.000000000e+00, v53;
	v11 =	vmul.f32 $6.931471820e-01, v11  }
0xd4: {  	v3 =	vmul.f32 v3, v48;
	v13 =	vadd.f32 $1.000000000e+00, v13;
	v24 =	vadd.f32 $2.000000030e-01, v20  }
0xd5: {  	v63 =	vld [tilespmem:$0x20];
	v56 =	vand.u32 $0xFF, v12;
	v10 =	vadd.f32 v10, v10;
	v50 =	vadd.f32 v39, v8  }
0xd6: {  	v2 =	vadd.f32 v3, v2;
	v9 =	vmul.f32 v13, v9;
	v3 =	vmul.f32 v24, v60  }
0xd7: {  	v27 =	vpop (erf);
	(erf) = vrcp.f32 v28;
	v7 =	vadd.f32 v15, v7;
	v53 =	vshra.s32 v47, $0x6  }
0xd8: {  	v13 =	vld.idx.msk [tilespmem:v26+s25+$0x0], $0xffff;
	v5 =	vadd.f32 v9, v5;
	v4 =	vmul.f32 v27, v4;
	v3 =	vadd.f32 $3.333333430e-01, v3  }
0xd9: {  	v15 =	vld.idx.msk [tilespmem:v31+s29+$0x0], $0xffff;
	v9 =	vadd.f32 $-1.000000000e+00, v25;
	v33 =	vand.u32 $0x7FFFFF, v7;
	v7 =	vshrl.u32 v7, $0x17  }
0xda: {  	v5 =	vsub.f32 v5, v63;
	v30 =	vmul.f32 v4, v4;
	v3 =	vmul.f32 v3, v60  }
0xdb: {  	v16 =	vor.u32 $0x3F800000, v33;
	v4 =	vadd.f32 v4, v4;
	v7 =	vand.u32 $0xFF, v7  }
0xdc: {  	v63 =	vld [tilespmem:$0x2A0];
	v34 =	vmul.f32 $5.000000000e-01, v16;
	vm15 =	vgt.f32 v16, $1.500000000e+00;
	v32 =	vmul.f32 $1.428571490e-01, v30  }
0xdd: {  	v5 =	vmul.f32 v5, v61;
	v3 =	vadd.f32 $1.000000000e+00, v3;
	v29 =	vsel vm15, $0xFFFFFF82, v1  }
0xde: {  	v13 =	vadd.f32 v15, v13;
	v7 =	vadd.s32 v7, v29;
	v14 =	vadd.f32 $2.000000030e-01, v32  }
0xdf: {  	v36 =	vld [tilespmem:$0x30];
	v2 =	vadd.f32 v5, v2;
	v3 =	vmul.f32 v3, v10;
	v5 =	vsel vm15, v34, v16  }
0xe0: {  	v46 =	vand.u32 $0x7FFFFF, v13;
	v10 =	vld.idx.msk [tilespmem:v35+s25+$0x0], $0xffff;
	v7 =	vcvt.s32.f32 v7;
	v38 =	vadd.f32 $1.000000000e+00, v5  }
0xe1: {  	v16 =	vld.idx.msk [tilespmem:v41+s29+$0x0], $0xffff;
	v18 =	vor.u32 $0x3F800000, v46;
	v5 =	vadd.f32 $-1.000000000e+00, v5;
	v27 =	vshra.s32 v63, $0x6  }
0xe2: {  	v14 =	vmul.f32 v14, v30;
	v3 =	vadd.f32 v3, v6;
	v37 =	vpop (erf);
	v49 =	vmul.f32 $5.000000000e-01, v18  }
0xe3: {  	vm3 =	vgt.f32 v18, $1.500000000e+00;
	v7 =	vmul.f32 $6.931471820e-01, v7;
	v9 =	vmul.f32 v37, v9  }
0xe4: {  	v55 =	vld [tilespmem:$0x140];
	(erf) = vrcp.f32 v38;
	v14 =	vadd.f32 $3.333333430e-01, v14;
	v51 =	vsel vm3, v49, v18  }
0xe5: {  	v3 =	vsub.f32 v3, v36;
	v42 =	vmul.f32 v9, v9;
	v52 =	vadd.f32 $1.000000000e+00, v51  }
0xe6: {  	v10 =	vadd.f32 v16, v10;
	v9 =	vadd.f32 v9, v9;
	v14 =	vmul.f32 v14, v30  }
0xe7: {  	v28 =	vld [tilespmem:$0x150];
	v8 =	vadd.f32 $-1.000000000e+00, v51;
	v3 =	vmul.f32 v3, v39;
	v45 =	vmul.f32 $1.428571490e-01, v42  }
0xe8: {  	v59 =	vand.u32 $0x7FFFFF, v10;
	v10 =	vshrl.u32 v10, $0x17;
	v43 =	vadd.f32 $1.000000000e+00, v14  }
0xe9: {  	v2 =	vadd.f32 v3, v2;
	v14 =	vor.u32 $0x3F800000, v59;
	v3 =	vadd.f32 v55, v50  }
0xea: {  	v10 =	vand.u32 $0xFF, v10;
	v48 =	vadd.f32 $2.000000030e-01, v45;
	v62 =	vmul.f32 $5.000000000e-01, v14  }
0xeb: {  	v44 =	vld [tilespmem:$0x40];
	vm4 =	vgt.f32 v14, $1.500000000e+00;
	v45 =	vsel vm3, $0xFFFFFF82, v1;
	v4 =	vmul.f32 v43, v4  }
0xec: {  	v51 =	vld [tilespmem:$0x160];
	v3 =	vadd.f32 v28, v3;
	v6 =	vmul.f32 v48, v42;
	v14 =	vsel vm4, v62, v14  }
0xed: {  	v4 =	vadd.f32 v4, v11;
	v54 =	vpop (erf);
	(erf) = vrcp.f32 v52;
	v24 =	vadd.f32 $1.000000000e+00, v14  }
0xee: {  	v60 =	vld.idx.msk [tilespmem:v47+s25+$0x0], $0xffff;
	v11 =	vadd.s32 v56, v57;
	v37 =	vadd.f32 $-1.000000000e+00, v14;
	v6 =	vadd.f32 $3.333333430e-01, v6  }
0xef: {  	v15 =	vld.idx.msk [tilespmem:v53+s29+$0x0], $0xffff;
	v56 =	vsel vm4, $0xFFFFFF82, v1;
	v5 =	vmul.f32 v54, v5;
	v11 =	vcvt.s32.f32 v11  }
0xf0: {  	v57 =	vld [tilespmem:$0x170];
	v10 =	vadd.s32 v10, v56;
	v4 =	vsub.f32 v4, v44;
	v6 =	vmul.f32 v6, v42  }
0xf1: {  	v3 =	vadd.f32 v51, v3;
	v10 =	vcvt.s32.f32 v10;
	v58 =	vmul.f32 v5, v5  }
0xf2: {  	v21 =	vld [tilespmem:$0x2C0];
	v11 =	vmul.f32 $6.931471820e-01, v11;
	v4 =	vmul.f32 v4, v55;
	v6 =	vadd.f32 $1.000000000e+00, v6  }
0xf3: {  	v25 =	vld [tilespmem:$0x50];
	v5 =	vadd.f32 v5, v5;
	v42 =	vshrl.u32 v13, $0x17;
	v61 =	vmul.f32 $1.428571490e-01, v58  }
0xf4: {  	v33 =	vld.idx.msk [tilespmem:v63+s25+$0x0], $0xffff;
	v2 =	vadd.f32 v4, v2;
	v4 =	vadd.f32 v15, v60;
	v6 =	vmul.f32 v6, v9  }
0xf5: {  	v10 =	vmul.f32 $6.931471820e-01, v10;
	v3 =	vadd.f32 v57, v3;
	v15 =	vld.idx.msk [tilespmem:v27+s29+$0x0], $0xffff;
	v23 =	vadd.f32 $2.000000030e-01, v61  }
0xf6: {  	v30 =	vand.u32 $0x7FFFFF, v4;
	v4 =	vshrl.u32 v4, $0x17;
	v6 =	vadd.f32 v6, v11  }
0xf7: {  	v9 =	vmul.f32 v23, v58;
	v26 =	vpop (erf);
	(erf) = vrcp.f32 v24;
	v19 =	vor.u32 $0x3F800000, v30  }
0xf8: {  	v50 =	vld [tilespmem:$0x2B0];
	v23 =	vshra.s32 v21, $0x6;
	v4 =	vand.u32 $0xFF, v4;
	v8 =	vmul.f32 v26, v8  }
0xf9: {  	v24 =	vld [tilespmem:$0x180];
	v32 =	vmul.f32 $5.000000000e-01, v19;
	vm7 =	vgt.f32 v19, $1.500000000e+00;
	v9 =	vadd.f32 $3.333333430e-01, v9  }
0xfa: {  	v6 =	vsub.f32 v6, v25;
	v41 =	vadd.f32 v15, v33;
	v31 =	vmul.f32 v8, v8  }
0xfb: {  	v11 =	vsel vm7, v32, v19;
	v8 =	vadd.f32 v8, v8;
	v9 =	vmul.f32 v9, v58  }
0xfc: {  	v27 =	vld [tilespmem:$0x2D0];
	v6 =	vmul.f32 v6, v28;
	v36 =	vadd.f32 $1.000000000e+00, v11;
	v15 =	vand.u32 $0x7FFFFF, v41  }
0xfd: {  	v11 =	vadd.f32 $-1.000000000e+00, v11;
	v58 =	vshra.s32 v50, $0x6;
	v28 =	vsel vm7, $0xFFFFFF82, v1  }
0xfe: {  	v34 =	vmul.f32 $1.428571490e-01, v31;
	v46 =	vor.u32 $0x3F800000, v15;
	v3 =	vadd.f32 v24, v3  }
0xff: {  	v4 =	vadd.s32 v4, v28;
	v9 =	vadd.f32 $1.000000000e+00, v9;
	v2 =	vadd.f32 v6, v2  }
0x100: {  	v49 =	vmul.f32 $5.000000000e-01, v46;
	vm8 =	vgt.f32 v46, $1.500000000e+00;
	v4 =	vcvt.s32.f32 v4  }
0x101: {  	v35 =	vadd.f32 $2.000000030e-01, v34;
	v34 =	vshra.s32 v27, $0x6;
	v39 =	vpop (erf);
	(erf) = vrcp.f32 v36  }
0x102: {  	v47 =	vld [tilespmem:$0x60];
	v5 =	vmul.f32 v9, v5;
	v13 =	vsel vm8, v49, v46;
	v40 =	vmul.f32 v39, v37  }
0x103: {  	v53 =	vld [tilespmem:$0x70];
	v4 =	vmul.f32 $6.931471820e-01, v4;
	v9 =	vshrl.u32 v41, $0x17;
	v38 =	vmul.f32 v35, v31  }
0x104: {  	v56 =	vld [tilespmem:$0x1A0];
	v52 =	vadd.f32 $1.000000000e+00, v13;
	v13 =	vadd.f32 $-1.000000000e+00, v13;
	v44 =	vmul.f32 v40, v40  }
0x105: {  	v41 =	vld [tilespmem:$0x190];
	v5 =	vadd.f32 v5, v7;
	v7 =	vand.u32 $0xFF, v42;
	v43 =	vadd.f32 $3.333333430e-01, v38  }
0x106: {  	v63 =	vld.idx.msk [tilespmem:v50+s25+$0x0], $0xffff;
	v9 =	vand.u32 $0xFF, v9;
	v7 =	vadd.s32 v7, v45;
	v48 =	vmul.f32 $1.428571490e-01, v44  }
0x107: {  	v35 =	vld [tilespmem:$0x2E0];
	v7 =	vcvt.s32.f32 v7;
	v5 =	vsub.f32 v5, v47;
	v12 =	vmul.f32 v43, v31  }
0x108: {  	v6 =	vadd.f32 v40, v40;
	v31 =	vld.idx.msk [tilespmem:v23+s29+$0x0], $0xffff;
	v23 =	vsel vm8, $0xFFFFFF82, v1;
	v17 =	vadd.f32 $2.000000030e-01, v48  }
0x109: {  	v22 =	vld.idx.msk [tilespmem:v58+s29+$0x0], $0xffff;
	v7 =	vmul.f32 $6.931471820e-01, v7;
	v5 =	vmul.f32 v5, v51;
	v12 =	vadd.f32 $1.000000000e+00, v12  }
0x10a: {  	v38 =	vld [tilespmem:$0x2F0];
	v3 =	vadd.f32 v41, v3;
	v54 =	vmul.f32 v17, v44;
	v55 =	vpop (erf);
	(erf) = vrcp.f32 v52  }
0x10b: {  	v9 =	vadd.s32 v9, v23;
	v8 =	vmul.f32 v12, v8;
	v11 =	vmul.f32 v55, v11  }
0x10c: {  	v39 =	vshra.s32 v35, $0x6;
	v9 =	vcvt.s32.f32 v9;
	v16 =	vadd.f32 $3.333333430e-01, v54  }
0x10d: {  	v3 =	vadd.f32 v56, v3;
	v7 =	vadd.f32 v8, v7;
	v17 =	vmul.f32 v11, v11  }
0x10e: {  	v29 =	vld.idx.msk [tilespmem:v21+s25+$0x0], $0xffff;
	v2 =	vadd.f32 v5, v2;
	v12 =	vadd.f32 v22, v63;
	v14 =	vmul.f32 v16, v44  }
0x10f: {  	v43 =	vshra.s32 v38, $0x6;
	v7 =	vsub.f32 v7, v53;
	v59 =	vmul.f32 $1.428571490e-01, v17  }
0x110: {  	v45 =	vmul.f32 $6.931471820e-01, v9;
	v33 =	vand.u32 $0x7FFFFF, v12;
	v14 =	vadd.f32 $1.000000000e+00, v14  }
0x111: {  	v12 =	vshrl.u32 v12, $0x17;
	v61 =	vmul.f32 v7, v57;
	v62 =	vadd.f32 $2.000000030e-01, v59  }
0x112: {  	v60 =	vld [tilespmem:$0x80];
	v12 =	vand.u32 $0xFF, v12;
	v11 =	vadd.f32 v11, v11;
	v6 =	vmul.f32 v14, v6  }
0x113: {  	v2 =	vadd.f32 v61, v2;
	v14 =	vadd.f32 v31, v29;
	v7 =	vmul.f32 v62, v17;
	v26 =	vpop (erf)  }
0x114: {  	v25 =	vadd.f32 v6, v10;
	v6 =	vmul.f32 v26, v13;
	v13 =	vor.u32 $0x3F800000, v33  }
0x115: {  	v16 =	vld.idx.msk [tilespmem:v34+s29+$0x0], $0xffff;
	v15 =	vand.u32 $0x7FFFFF, v14;
	v14 =	vshrl.u32 v14, $0x17;
	v7 =	vadd.f32 $3.333333430e-01, v7  }
0x116: {  	v10 =	vld.idx.msk [tilespmem:v27+s25+$0x0], $0xffff;
	v36 =	vmul.f32 $5.000000000e-01, v13;
	vm9 =	vgt.f32 v13, $1.500000000e+00;
	v15 =	vor.u32 $0x3F800000, v15  }
0x117: {  	v14 =	vand.u32 $0xFF, v14;
	v5 =	vsub.f32 v25, v60;
	v30 =	vmul.f32 v6, v6  }
0x118: {  	v40 =	vmul.f32 $5.000000000e-01, v15;
	vm10 =	vgt.f32 v15, $1.500000000e+00;
	v37 =	vsel vm9, v36, v13  }
0x119: {  	v42 =	vld.idx.msk [tilespmem:v35+s25+$0x0], $0xffff;
	v6 =	vadd.f32 v6, v6;
	v52 =	vsel vm9, $0xFFFFFF82, v1;
	v13 =	vadd.f32 $1.000000000e+00, v37  }
0x11a: {  	v44 =	vld.idx.msk [tilespmem:v39+s29+$0x0], $0xffff;
	v7 =	vmul.f32 v7, v17;
	v62 =	vsel vm10, $0xFFFFFF82, v1;
	v32 =	vmul.f32 $1.428571490e-01, v30  }
0x11b: {  	v12 =	vadd.s32 v12, v52;
	v10 =	vadd.f32 v16, v10;
	(erf) = vrcp.f32 v13  }
0x11c: {  	v5 =	vmul.f32 v5, v24;
	v49 =	vadd.f32 $-1.000000000e+00, v37;
	v8 =	vadd.f32 $2.000000030e-01, v32  }
0x11d: {  	v33 =	vcvt.s32.f32 v12;
	v13 =	vsel vm10, v40, v15;
	v47 =	vand.u32 $0x7FFFFF, v10  }
0x11e: {  	v48 =	vld.idx.msk [tilespmem:v38+s25+$0x0], $0xffff;
	v15 =	vadd.f32 $1.000000000e+00, v13;
	v8 =	vmul.f32 v8, v30;
	v9 =	vor.u32 $0x3F800000, v47  }
0x11f: {  	v51 =	vld.idx.msk [tilespmem:v43+s29+$0x0], $0xffff;
	v38 =	vadd.s32 v14, v62;
	v16 =	vadd.f32 v44, v42;
	v50 =	vmul.f32 $5.000000000e-01, v9  }
0x120: {  	(erf) = vrcp.f32 v15;
	vm11 =	vgt.f32 v9, $1.500000000e+00;
	v8 =	vadd.f32 $3.333333430e-01, v8  }
0x121: {  	v7 =	vadd.f32 $1.000000000e+00, v7;
	v2 =	vadd.f32 v5, v2;
	v55 =	vsel vm11, v50, v9  }
0x122: {  	v58 =	vand.u32 $0x7FFFFF, v16;
	v8 =	vmul.f32 v8, v30;
	v57 =	vadd.f32 $1.000000000e+00, v55  }
0x123: {  	v22 =	vld [tilespmem:$0x90];
	v7 =	vmul.f32 v7, v11;
	v13 =	vadd.f32 $-1.000000000e+00, v13;
	v11 =	vor.u32 $0x3F800000, v58  }
0x124: {  	v15 =	vadd.f32 v51, v48;
	v8 =	vadd.f32 $1.000000000e+00, v8;
	v53 =	vpop (erf);
	(erf) = vrcp.f32 v57  }
0x125: {  	v10 =	vshrl.u32 v10, $0x17;
	v4 =	vadd.f32 v7, v4;
	v60 =	vmul.f32 $5.000000000e-01, v11  }
0x126: {  	vm12 =	vgt.f32 v11, $1.500000000e+00;
	v24 =	vand.u32 $0x7FFFFF, v15;
	v6 =	vmul.f32 v8, v6  }
0x127: {  	v46 =	vld [tilespmem:$0xA0];
	v54 =	vmul.f32 v53, v49;
	v8 =	vsel vm12, v60, v11;
	v11 =	vor.u32 $0x3F800000, v24  }
0x128: {  	v4 =	vsub.f32 v4, v22;
	v25 =	vadd.f32 $1.000000000e+00, v8;
	v27 =	vmul.f32 $5.000000000e-01, v11  }
0x129: {  	vm13 =	vgt.f32 v11, $1.500000000e+00;
	v5 =	vadd.f32 v6, v45;
	v59 =	vmul.f32 v54, v54;
	v63 =	vpop (erf)  }
0x12a: {  	v13 =	vmul.f32 v63, v13;
	(erf) = vrcp.f32 v25;
	v11 =	vsel vm13, v27, v11  }
0x12b: {  	v4 =	vmul.f32 v4, v41;
	v61 =	vmul.f32 $1.428571490e-01, v59;
	v31 =	vadd.f32 $1.000000000e+00, v11  }
0x12c: {  	v16 =	vshrl.u32 v16, $0x17;
	v5 =	vsub.f32 v5, v46;
	v26 =	vmul.f32 v13, v13  }
0x12d: {  	v2 =	vadd.f32 v4, v2;
	v18 =	vadd.f32 $2.000000030e-01, v61;
	v32 =	vpop (erf);
	(erf) = vrcp.f32 v31  }
0x12e: {  	v6 =	vadd.f32 $-1.000000000e+00, v55;
	v5 =	vmul.f32 v5, v56;
	v30 =	vmul.f32 $1.428571490e-01, v26  }
0x12f: {  	v16 =	vand.u32 $0xFF, v16;
	v28 =	vsel vm11, $0xFFFFFF82, v1;
	v29 =	vmul.f32 v18, v59  }
0x130: {  	v2 =	vadd.f32 v5, v2;
	v5 =	vadd.f32 $2.000000030e-01, v30;
	v6 =	vmul.f32 v32, v6  }
0x131: {  	v9 =	vmul.f32 $6.931471820e-01, v33;
	v15 =	vshrl.u32 v15, $0x17;
	v7 =	vadd.f32 $3.333333430e-01, v29  }
0x132: {  	v8 =	vadd.f32 $-1.000000000e+00, v8;
	v5 =	vmul.f32 v5, v26;
	v34 =	vmul.f32 v6, v6  }
0x133: {  	v15 =	vand.u32 $0xFF, v15;
	v4 =	vadd.f32 v54, v54;
	v7 =	vmul.f32 v7, v59;
	v35 =	vpop (erf)  }
0x134: {  	v5 =	vadd.f32 $3.333333430e-01, v5;
	v37 =	vmul.f32 $1.428571490e-01, v34;
	v8 =	vmul.f32 v35, v8  }
0x135: {  	v49 =	vsel vm12, $0xFFFFFF82, v1;
	v11 =	vadd.f32 $-1.000000000e+00, v11;
	v7 =	vadd.f32 $1.000000000e+00, v7  }
0x136: {  	v5 =	vmul.f32 v5, v26;
	v39 =	vadd.f32 $2.000000030e-01, v37;
	v17 =	vmul.f32 v8, v8;
	v40 =	vpop (erf)  }
0x137: {  	v13 =	vadd.f32 v13, v13;
	v4 =	vmul.f32 v7, v4;
	v41 =	vmul.f32 v40, v11  }
0x138: {  	v5 =	vadd.f32 $1.000000000e+00, v5;
	v14 =	vmul.f32 v39, v34;
	v42 =	vmul.f32 $1.428571490e-01, v17  }
0x139: {  	v4 =	vadd.f32 v4, v9;
	v9 =	vcvt.s32.f32 v38;
	v44 =	vmul.f32 v41, v41  }
0x13a: {  	v5 =	vmul.f32 v5, v13;
	v43 =	vadd.f32 $3.333333430e-01, v14;
	v11 =	vadd.f32 $2.000000030e-01, v42  }
0x13b: {  	v51 =	vadd.s32 v16, v49;
	v9 =	vmul.f32 $6.931471820e-01, v9;
	v48 =	vmul.f32 $1.428571490e-01, v44  }
0x13c: {  	v45 =	vand.u32 $0xFF, v10;
	v46 =	vmul.f32 v43, v34;
	v11 =	vmul.f32 v11, v17  }
0x13d: {  	v36 =	vld [tilespmem:$0xB0];
	v5 =	vadd.f32 v5, v9;
	v9 =	vadd.s32 v45, v28;
	v13 =	vadd.f32 $2.000000030e-01, v48  }
0x13e: {  	v47 =	vld [tilespmem:$0xC0];
	v6 =	vadd.f32 v6, v6;
	v10 =	vadd.f32 $1.000000000e+00, v46;
	v9 =	vcvt.s32.f32 v9  }
0x13f: {  	v50 =	vld [tilespmem:$0x1B0];
	v1 =	vsel vm13, $0xFFFFFF82, v1;
	v11 =	vadd.f32 $3.333333430e-01, v11;
	v13 =	vmul.f32 v13, v44  }
0x140: {  	v1 =	vadd.s32 v15, v1;
	v6 =	vmul.f32 v10, v6;
	v9 =	vmul.f32 $6.931471820e-01, v9  }
0x141: {  	v52 =	vld [tilespmem:$0x1C0];
	v8 =	vadd.f32 v8, v8;
	v11 =	vmul.f32 v11, v17;
	v13 =	vadd.f32 $3.333333430e-01, v13  }
0x142: {  	v53 =	vld [tilespmem:$0xD0];
	v1 =	vcvt.s32.f32 v1;
	v4 =	vsub.f32 v4, v36;
	v6 =	vadd.f32 v6, v9  }
0x143: {  	v54 =	vld [tilespmem:$0x1D0];
	v11 =	vadd.f32 $1.000000000e+00, v11;
	v9 =	vcvt.s32.f32 v51;
	v13 =	vmul.f32 v13, v44  }
0x144: {  	v55 =	vld [tilespmem:$0xE0];
	v7 =	vadd.f32 v41, v41;
	v4 =	vmul.f32 v4, v50;
	v5 =	vsub.f32 v5, v47  }
0x145: {  	v56 =	vld [tilespmem:$0x1E0];
	v9 =	vmul.f32 $6.931471820e-01, v9;
	v8 =	vmul.f32 v11, v8;
	v13 =	vadd.f32 $1.000000000e+00, v13  }
0x146: {  	v1 =	vmul.f32 $6.931471820e-01, v1;
	v59 =	vld [tilespmem:$0xF0];
	v2 =	vadd.f32 v4, v2;
	v57 =	vmul.f32 v5, v52  }
0x147: {  	v58 =	vsub.f32 v6, v53;
	v8 =	vadd.f32 v8, v9;
	v7 =	vmul.f32 v13, v7  }
0x148: {  	v3 =	vadd.f32 v50, v3;
	v60 =	vld [tilespmem:$0x1F0];
	v2 =	vadd.f32 v57, v2  }
0x149: {  	v5 =	vmul.f32 v58, v54;
	v8 =	vsub.f32 v8, v55;
	v1 =	vadd.f32 v7, v1  }
0x14a: {  	v3 =	vadd.f32 v52, v3  }
0x14b: {  	v2 =	vadd.f32 v5, v2;
	v61 =	vmul.f32 v8, v56;
	v1 =	vsub.f32 v1, v59  }
0x14c: {  	v3 =	vadd.f32 v54, v3  }
0x14d: {  	v2 =	vadd.f32 v61, v2;
	v1 =	vmul.f32 v1, v60  }
0x14e: {  	v3 =	vadd.f32 v56, v3  }
0x14f: {  	v1 =	vadd.f32 v1, v2  }
0x150: {  	v62 =	vadd.f32 v60, v3  }
0x151: {  	(xrf2) =	vadd.scan.msk.f32 $0xffff, v1  }
0x152: {  	(xrf2) =	vadd.scan.msk.f32 $0xffff, v62;
	_ =	sdelay $0x8  }
0x153: {  	v1, _, _ =	vpop (xrf2)  }
0x154: {  	v2, _, _ =	vpop (xrf2)  }
0x155: {  	v2 =	vperm.xlane v2, v0  }
0x156: {  	vm14 =	vcmask $0x3F08;
	v0 =	vperm.xlane v1, v0  }
0x157: {  	vm15 =	vmmov $0x1;
	v63 =	vsel vm14, $0x0, v2  }
0x158: {  	v0 =	vsel vm15, v0, v63  }
0x159: {  	s30 =	simm.s32 $0x10;
	s31 =	simm.s32 $0x400;
	[tilespmem:$0xB80] =	vst v0  }
0x15a: {  	[spmem:s2] =	stream.indirect.scatter.add.f32 [tilespmem:s24], [sflag:$0x4], $0x1, s31, s30, $0xb8;
	[tilespmem:$0xD58] =	vst v63  }
0x15b: {  	_ =	swait.ge [sflag:s5], $0x10  }
0x15c: {  	[sflag:s5] =	ssyncset.done $0x0  }
0x15d: {  	[sflag:s5] =	ssyncadd.s32 $0xFFFFFFF0  }
0x15e: {  	[bflag:$0x0] =	sbarrier.arrive $0xFFFF  }
0x15f: {  	_ =	sfence.sel @p0 $0x180000  }
0x160: {  	[bflag:$0x0] =	sbarrier.arrive @p0 $0xFFFF  }
0x161: {  	_ =	strace @p0 $0x90000047  }
0x162: {  	[bflag:$0x2] =	sbarrier.arrive @p0 $0xFFFF  }
0x163: {  	[tilespmem:s4], [sflag:$0x5] =	stream.linear.gather @!p0 [spmem:s2], $0x10, $0x38;
	[tilespmem:$0xD58] =	vst v63  }
0x164: {  	_ =	swait.ge @!p0 [sflag:s3], $0x10  }
0x165: {  	[sflag:s3] =	ssyncset.done @!p0 $0x0  }
0x166: {  	[sflag:s3] =	ssyncadd.s32 @!p0 $0xFFFFFFF0  }
0x167: {  	v0 =	vld @!p0 [tilespmem:$0x480];
	_ =	sdelay $0x3  }
0x168: {  	v1 =	vimm.s32 @!p0 $0x1  }
0x169: {  	v1 =	vperm.xlane @!p0 v0, v1;
	_ =	sdelay $0x1  }
0x16a: {  	v1 =	vadd.f32 @!p0 $1.000000010e-07, v1;
	_ =	sdelay $0x1  }
0x16b: {  	(erf) = vrcp.f32 @!p0 v1;
	_ =	sdelay $0x5  }
0x16c: {  	v1 =	vimm.s32 @!p0 $0x0;
	_ =	sdelay $0x1  }
0x16d: {  	v0 =	vperm.xlane @!p0 v0, v1  }
0x16e: {  	v1 =	vpop @!p0 (erf)  }
0x16f: {  	v0 =	vmul.f32 @!p0 v1, v0;
	_ =	sdelay $0x1  }
0x170: {  	s2 =	simm.s32 @!p0 $0x0;
	s4 =	simm.s32 @!p0 $0xC00;
	[tilespmem:$0xC00] =	vst @!p0 v0  }
0x171: {  	[hbm4b:s1+s2] =	stream.linear.scatter @!p0 [tilespmem:s4], [sflag:$0x5], $0x80, $0x38;
	[tilespmem:$0xD58] =	vst v63  }
0x172: {  	_ =	swait.ge @!p0 [sflag:s3], $0x80  }
0x173: {  	[sflag:s3] =	ssyncset.done @!p0 $0x0  }
0x174: {  	[sflag:s3] =	ssyncadd.s32 @!p0 $0xFFFFFF80  }
0x175: {  	_ =	sfence.sel @!p0 $0x180000  }
0x176: {  	[bflag:$0x0] =	sbarrier.arrive @!p0 $0xFFFF  }
0x177: {  	_ =	strace @!p0 $0x90000047  }
0x178: {  	s0 =	sadd.s32 @!p0 $0x100000, s0;
	[bflag:$0x2] =	sbarrier.arrive @!p0 $0xFFFF  }
0x179: {  	[sflag:s0] =	ssyncadd.tile.s32 @!p0 $0x1;
	_ =	shalt  }
.Lfunc_end2:
_tile_overlayer_lowered:
.L_overlay_start_2:
0x17a: {  	(tag) =	ssettag $0x2  }
0x17b: {  	s0 =	rddreg [dreg:$0x0];
	s2 =	stileid.u32  }
0x17c: {  	s1 =	rddreg [dreg:$0x1];
	p0 =	sne.s32 s2, $0x0  }
0x17d: {  	s3 =	rddreg [dreg:$0x2];
	[bflag:$0x3] =	sbarrier.arrive $0xFFFF;
	s2 =	simm.s32 @!p0 $0x1C05  }
0x17e: {  	[timem:s3], [sflag:s2] =	dma.local @!p0 [hbm:s0], s1  }
0x17f: {  	s0 =	simm.s32 @!p0 $0x5  }
0x180: {  	_ =	swait.ge @!p0 [sflag:s0], s1  }
0x181: {  	s1 =	ssub.s32 @!p0 $0x0, s1;
	[sflag:s0] =	ssyncset.done @!p0 $0x0  }
0x182: {  	[sflag:s0] =	ssyncadd.s32 @!p0 s1  }
0x183: {  	[bflag:$0x3] =	sbarrier.arrive $0xFFFF  }
0x184: {  	_ =	shalt  }

</sc_bundles>
